<compile_context>
chip_gen: v7x
topology: tpu7x:2x2x1
jax: 0.10.2.dev20260603
libtpu: 0.0.44.dev20260713+nightly
codegen_flags: <defaults>
</compile_context>

<pallas_src>
import functools

import jax
import jax.numpy as jnp
from jax import lax
from jax.experimental import pallas as pl
from jax.experimental.pallas import tpu as pltpu
from jax.experimental.pallas import tpu_sc as plsc

N = 10000
N1 = 2000
N2 = 500
E1 = 320000
E2 = 64000
D = 128

NC = 2
NS = 16
NW = NC * NS
BLK = 128


def _ceil_to(a, m):
    return (a + m - 1) // m * m


def _make_sc_agg(nblk, AR):
    SR = AR // NS
    mesh = plsc.VectorSubcoreMesh(core_axis_name="c", subcore_axis_name="s")

    @functools.partial(
        pl.kernel,
        mesh=mesh,
        out_type=[
            jax.ShapeDtypeStruct((NC, AR, D), jnp.float32),
            jax.ShapeDtypeStruct((NC, AR, D), jnp.float32),
        ],
        scratch_types=[
            pltpu.VMEM((nblk, BLK), jnp.int32),
            pltpu.VMEM((nblk, BLK), jnp.int32),
            pltpu.VMEM((BLK, D), jnp.float32),
            pltpu.VMEM((BLK, D), jnp.float32),
            pltpu.VMEM_SHARED((AR, D), jnp.float32),
            pltpu.VMEM_SHARED((AR, D), jnp.float32),
            pltpu.SemaphoreType.DMA,
        ],
    )
    def k(table, srcs, dsts, ones, zr, zc, acc_out, cnt_out,
          src_v, dst_v, rows_v, ones_v, acc_s, cnt_s, sem):
        cid = lax.axis_index("c")
        sid = lax.axis_index("s")
        wid = sid * NC + cid

        pltpu.sync_copy(zr, acc_s.at[pl.ds(sid * SR, SR)])
        pltpu.sync_copy(zc, cnt_s.at[pl.ds(sid * SR, SR)])

        pltpu.sync_copy(srcs.at[wid], src_v)
        pltpu.sync_copy(dsts.at[wid], dst_v)
        pltpu.sync_copy(ones, ones_v)
        plsc.subcore_barrier()

        def body(j, carry):
            pltpu.async_copy(table.at[src_v.at[j]], rows_v, sem).wait()
            pltpu.sync_copy(rows_v, acc_s.at[dst_v.at[j]], add=True)
            pltpu.sync_copy(ones_v, cnt_s.at[dst_v.at[j]], add=True)
            return carry

        lax.fori_loop(0, nblk, body, 0)

        plsc.subcore_barrier()

        @pl.when(sid == 0)
        def _():
            pltpu.sync_copy(acc_s, acc_out.at[cid])
            pltpu.sync_copy(cnt_s, cnt_out.at[cid])

    return k


def _mean_from_acc(acc_r, cnt_r):
    s = acc_r[0] + acc_r[1]
    cnt = cnt_r[0] + cnt_r[1]
    return s / jnp.maximum(cnt, 1.0)


def _tc_layer1(acc, cnt, x, wl, bl, wr):
    AR = acc.shape[1]

    def body(acc_r, cnt_r, x_r, wl_r, bl_r, wr_r, o_r):
        mean = _mean_from_acc(acc_r, cnt_r)
        h = (jnp.dot(mean, wl_r[...], preferred_element_type=jnp.float32)
             + bl_r[...]
             + jnp.dot(x_r[...], wr_r[...], preferred_element_type=jnp.float32))
        o_r[...] = jnp.maximum(h, 0.0)

    return pl.pallas_call(
        body,
        out_shape=jax.ShapeDtypeStruct((AR, D), jnp.float32),
    )(acc, cnt, x, wl, bl, wr)


def _tc_layer2(acc, cnt, h, wl, bl, wr):
    AR = acc.shape[1]

    def body(acc_r, cnt_r, h_r, wl_r, bl_r, wr_r, o_r):
        mean = _mean_from_acc(acc_r, cnt_r)
        z = (jnp.dot(mean, wl_r[...], preferred_element_type=jnp.float32)
             + bl_r[...]
             + jnp.dot(h_r[...], wr_r[...], preferred_element_type=jnp.float32))
        m = jnp.max(z, axis=-1, keepdims=True)
        e = z - m
        lse = jnp.log(jnp.sum(jnp.exp(e), axis=-1, keepdims=True))
        o_r[...] = e - lse

    return pl.pallas_call(
        body,
        out_shape=jax.ShapeDtypeStruct((AR, D), jnp.float32),
    )(acc, cnt, h, wl, bl, wr)


def _pad_edges(src, dst, pad_dst, ep):
    e = src.shape[0]
    tot = NW * ep
    src_p = jnp.concatenate(
        [src, jnp.zeros((tot - e,), jnp.int32)]).reshape(NW, ep // BLK, BLK)
    dst_p = jnp.concatenate(
        [dst, jnp.full((tot - e,), pad_dst, jnp.int32)]).reshape(NW, ep // BLK, BLK)
    return src_p, dst_p


def kernel(x, src1, dst1, src2, dst2, W1_l, b1_l, W1_r, W2_l, b2_l, W2_r):
    AR1, AR2 = 2048, 512
    ep1 = _ceil_to(E1 // NW, BLK)
    ep2 = _ceil_to(E2 // NW, BLK)

    srcs1, dsts1 = _pad_edges(src1, dst1, AR1 - 1, ep1)
    srcs2, dsts2 = _pad_edges(src2, dst2, AR2 - 1, ep2)

    ones = jnp.ones((BLK, D), jnp.float32)
    zr = jnp.zeros((AR1 // NS, D), jnp.float32)

    acc1, cnt1 = _make_sc_agg(ep1 // BLK, AR1)(x, srcs1, dsts1, ones, zr, zr)
    h = _tc_layer1(acc1, cnt1, x[:AR1], W1_l, b1_l.reshape(1, D), W1_r)
    acc2, cnt2 = _make_sc_agg(ep2 // BLK, AR2)(
        h, srcs2, dsts2, ones, zr[: AR2 // NS], zr[: AR2 // NS])
    out = _tc_layer2(acc2, cnt2, h[:AR2], W2_l, b2_l.reshape(1, D), W2_r)
    return out[:N2]

# --- scband reference (transcript-rebuilt; emitter-appended) ---
"""Pipeline reference for scband-sage-83837761618055 (READ-ONLY COPY).

The authoritative reference and input builder live on the scoring server;
editing this copy changes nothing except your own understanding.
"""

import jax, jax.numpy as jnp
import numpy as np

N = 10000   # total sampled nodes (layer-1 sources)
N1 = 2000   # layer-1 targets / layer-2 sources
N2 = 500    # layer-2 targets (batch nodes)
E1 = 320000
E2 = 64000
D = 128     # in_channels
H = 128     # hidden_channels
O = 128     # out_channels


def setup_inputs(seed: int = 0) -> dict:
    key = jax.random.key(seed)
    ks = jax.random.split(key, 12)
    x = jax.random.normal(ks[0], (N, D), dtype=jnp.float32)
    src1 = jax.random.randint(ks[1], (E1,), 0, N, dtype=jnp.int32)
    dst1 = jax.random.randint(ks[2], (E1,), 0, N1, dtype=jnp.int32)
    src2 = jax.random.randint(ks[3], (E2,), 0, N1, dtype=jnp.int32)
    dst2 = jax.random.randint(ks[4], (E2,), 0, N2, dtype=jnp.int32)
    s1 = 1.0 / np.sqrt(D)
    s2 = 1.0 / np.sqrt(H)
    W1_l = jax.random.uniform(ks[5], (D, H), jnp.float32, -s1, s1)
    b1_l = jax.random.uniform(ks[6], (H,), jnp.float32, -s1, s1)
    W1_r = jax.random.uniform(ks[7], (D, H), jnp.float32, -s1, s1)
    W2_l = jax.random.uniform(ks[8], (H, O), jnp.float32, -s2, s2)
    b2_l = jax.random.uniform(ks[9], (O,), jnp.float32, -s2, s2)
    W2_r = jax.random.uniform(ks[10], (H, O), jnp.float32, -s2, s2)
    return {"x": x, "src1": src1, "dst1": dst1, "src2": src2, "dst2": dst2,
            "W1_l": W1_l, "b1_l": b1_l, "W1_r": W1_r,
            "W2_l": W2_l, "b2_l": b2_l, "W2_r": W2_r}


def _sage_conv(x_src, x_dst, src, dst, W_l, b_l, W_r, n_target):
    # PyG SAGEConv (aggr='mean', root_weight=True):
    # out = lin_l(mean_j x_src[j]) + lin_r(x_dst)
    msgs = jnp.take(x_src, src, axis=0)
    agg = jax.ops.segment_sum(msgs, dst, num_segments=n_target)
    cnt = jax.ops.segment_sum(jnp.ones((src.shape[0],), x_src.dtype), dst,
                              num_segments=n_target)
    mean = agg / jnp.clip(cnt, 1.0)[:, None]
    return mean @ W_l + b_l + x_dst @ W_r


def reference(x, src1, dst1, src2, dst2, W1_l, b1_l, W1_r, W2_l, b2_l, W2_r):
    # adjs[0]: (edge_index1, e_id, (N, N1)); adjs[1]: (edge_index2, e_id, (N1, N2))
    x_t1 = x[:N1]
    h = _sage_conv(x, x_t1, src1, dst1, W1_l, b1_l, W1_r, N1)
    h = jax.nn.relu(h)
    # F.dropout(p=0.5, training=self.training): eval mode -> identity
    h_t2 = h[:N2]
    out = _sage_conv(h, h_t2, src2, dst2, W2_l, b2_l, W2_r, N2)
    return jax.nn.log_softmax(out, axis=-1)

if __name__ == "__main__":
    import jax
    _d = setup_inputs()
    print(jax.jit(kernel)(*tuple(_d.values())))

</pallas_src>

<mosaic_0001>
#map = affine_map<(d0, d1) -> (0, 0)>
#map1 = affine_map<(d0, d1) -> (0, 0, 0)>
module attributes {stable_mosaic.version = 14 : i64} {
  func.func @k(%arg0: i32, %arg1: i32, %arg2: memref<10000x128xf32, #tpu.memory_space<hbm>>, %arg3: memref<32x79x128xi32, #tpu.memory_space<hbm>>, %arg4: memref<32x79x128xi32, #tpu.memory_space<hbm>>, %arg5: memref<128x128xf32, #tpu.memory_space<hbm>>, %arg6: memref<128x128xf32, #tpu.memory_space<hbm>>, %arg7: memref<128x128xf32, #tpu.memory_space<hbm>>, %arg8: memref<2x2048x128xf32, #tpu.memory_space<hbm>>, %arg9: memref<2x2048x128xf32, #tpu.memory_space<hbm>>, %arg10: memref<79x128xi32, #tpu.memory_space<vmem>>, %arg11: memref<79x128xi32, #tpu.memory_space<vmem>>, %arg12: memref<128x128xf32, #tpu.memory_space<vmem>>, %arg13: memref<128x128xf32, #tpu.memory_space<vmem>>, %arg14: memref<2048x128xf32, #tpu.memory_space<vmem_shared>>, %arg15: memref<2048x128xf32, #tpu.memory_space<vmem_shared>>, %arg16: memref<!tpu.dma_semaphore, #tpu.memory_space<semaphore_mem>>) attributes {dimension_semantics = [#tpu.dimension_semantics<core_parallel>, #tpu.dimension_semantics<subcore_parallel>], iteration_bounds = array<i64: 2, 16>, scalar_prefetch = 0 : i64, scratch_operands = 7 : i64, tpu.core_type = #tpu.core_type<sc_vector_subcore>, window_params = [{transform_indices = #map}, {transform_indices = #map1}, {transform_indices = #map1}, {transform_indices = #map}, {transform_indices = #map}, {transform_indices = #map}, {transform_indices = #map1}, {transform_indices = #map1}]} {
    %mul3A = arith.constant 2 : i32
    %mul3A_0 = arith.muli %arg1, %mul3A : i32
    %add3A = arith.addi %mul3A_0, %arg0 : i32
    %mul3A_1 = arith.constant 128 : i32
    %mul3A_2 = arith.muli %arg1, %mul3A_1 : i32
    "tpu.region"() ({
      %run_scoped3A = tpu.sem_alloc : memref<!tpu.dma_semaphore, #tpu.memory_space<semaphore_mem>>
      %dma_start3A = arith.constant 0 : i32
      %dma_start3A_13 = tpu.memref_slice %arg14[%mul3A_2, %dma_start3A] : memref<2048x128xf32, #tpu.memory_space<vmem_shared>> -> memref<128x128xf32, #tpu.memory_space<vmem_shared>>
      tpu.enqueue_dma source(%arg6 : memref<128x128xf32, #tpu.memory_space<hbm>>) target(%dma_start3A_13 : memref<128x128xf32, #tpu.memory_space<vmem_shared>>) target_semaphore(%run_scoped3A : memref<!tpu.dma_semaphore, #tpu.memory_space<semaphore_mem>>)
      %dma_wait3A = arith.constant 0 : i32
      %dma_wait3A_14 = tpu.memref_slice %arg14[%mul3A_2, %dma_wait3A] : memref<2048x128xf32, #tpu.memory_space<vmem_shared>> -> memref<128x128xf32, #tpu.memory_space<vmem_shared>>
      tpu.wait_dma2 semaphore(%run_scoped3A : memref<!tpu.dma_semaphore, #tpu.memory_space<semaphore_mem>>) src(%arg6 : memref<128x128xf32, #tpu.memory_space<hbm>>) dst(%dma_wait3A_14 : memref<128x128xf32, #tpu.memory_space<vmem_shared>>)
      tpu.yield
    }) : () -> ()
    %mul3A_3 = arith.constant 128 : i32
    %mul3A_4 = arith.muli %arg1, %mul3A_3 : i32
    "tpu.region"() ({
      %run_scoped3A = tpu.sem_alloc : memref<!tpu.dma_semaphore, #tpu.memory_space<semaphore_mem>>
      %dma_start3A = arith.constant 0 : i32
      %dma_start3A_13 = tpu.memref_slice %arg15[%mul3A_4, %dma_start3A] : memref<2048x128xf32, #tpu.memory_space<vmem_shared>> -> memref<128x128xf32, #tpu.memory_space<vmem_shared>>
      tpu.enqueue_dma source(%arg7 : memref<128x128xf32, #tpu.memory_space<hbm>>) target(%dma_start3A_13 : memref<128x128xf32, #tpu.memory_space<vmem_shared>>) target_semaphore(%run_scoped3A : memref<!tpu.dma_semaphore, #tpu.memory_space<semaphore_mem>>)
      %dma_wait3A = arith.constant 0 : i32
      %dma_wait3A_14 = tpu.memref_slice %arg15[%mul3A_4, %dma_wait3A] : memref<2048x128xf32, #tpu.memory_space<vmem_shared>> -> memref<128x128xf32, #tpu.memory_space<vmem_shared>>
      tpu.wait_dma2 semaphore(%run_scoped3A : memref<!tpu.dma_semaphore, #tpu.memory_space<semaphore_mem>>) src(%arg7 : memref<128x128xf32, #tpu.memory_space<hbm>>) dst(%dma_wait3A_14 : memref<128x128xf32, #tpu.memory_space<vmem_shared>>)
      tpu.yield
    }) : () -> ()
    "tpu.region"() ({
      %run_scoped3A = tpu.sem_alloc : memref<!tpu.dma_semaphore, #tpu.memory_space<semaphore_mem>>
      %dma_start3A = arith.constant 0 : i32
      %dma_start3A_13 = arith.constant 0 : i32
      %dma_start3A_14 = tpu.memref_slice %arg3[%add3A, %dma_start3A, %dma_start3A_13] : memref<32x79x128xi32, #tpu.memory_space<hbm>> -> memref<1x79x128xi32, #tpu.memory_space<hbm>>
      %dma_start3A_15 = tpu.memref_squeeze %dma_start3A_14 : memref<1x79x128xi32, #tpu.memory_space<hbm>> -> memref<79x128xi32, #tpu.memory_space<hbm>>
      %dma_start3A_16 = arith.constant 0 : i32
      %dma_start3A_17 = arith.constant 0 : i32
      %dma_start3A_18 = tpu.memref_slice %arg3[%add3A, %dma_start3A_16, %dma_start3A_17] : memref<32x79x128xi32, #tpu.memory_space<hbm>> -> memref<1x79x128xi32, #tpu.memory_space<hbm>>
      %dma_start3A_19 = tpu.memref_squeeze %dma_start3A_18 : memref<1x79x128xi32, #tpu.memory_space<hbm>> -> memref<79x128xi32, #tpu.memory_space<hbm>>
      tpu.enqueue_dma source(%dma_start3A_19 : memref<79x128xi32, #tpu.memory_space<hbm>>) target(%arg10 : memref<79x128xi32, #tpu.memory_space<vmem>>) target_semaphore(%run_scoped3A : memref<!tpu.dma_semaphore, #tpu.memory_space<semaphore_mem>>)
      %dma_wait3A = arith.constant 0 : i32
      %dma_wait3A_20 = arith.constant 0 : i32
      %dma_wait3A_21 = tpu.memref_slice %arg3[%add3A, %dma_wait3A, %dma_wait3A_20] : memref<32x79x128xi32, #tpu.memory_space<hbm>> -> memref<1x79x128xi32, #tpu.memory_space<hbm>>
      %dma_wait3A_22 = tpu.memref_squeeze %dma_wait3A_21 : memref<1x79x128xi32, #tpu.memory_space<hbm>> -> memref<79x128xi32, #tpu.memory_space<hbm>>
      %dma_wait3A_23 = arith.constant 0 : i32
      %dma_wait3A_24 = arith.constant 0 : i32
      %dma_wait3A_25 = tpu.memref_slice %arg3[%add3A, %dma_wait3A_23, %dma_wait3A_24] : memref<32x79x128xi32, #tpu.memory_space<hbm>> -> memref<1x79x128xi32, #tpu.memory_space<hbm>>
      %dma_wait3A_26 = tpu.memref_squeeze %dma_wait3A_25 : memref<1x79x128xi32, #tpu.memory_space<hbm>> -> memref<79x128xi32, #tpu.memory_space<hbm>>
      tpu.wait_dma2 semaphore(%run_scoped3A : memref<!tpu.dma_semaphore, #tpu.memory_space<semaphore_mem>>) src(%dma_wait3A_26 : memref<79x128xi32, #tpu.memory_space<hbm>>) dst(%arg10 : memref<79x128xi32, #tpu.memory_space<vmem>>)
      tpu.yield
    }) : () -> ()
    "tpu.region"() ({
      %run_scoped3A = tpu.sem_alloc : memref<!tpu.dma_semaphore, #tpu.memory_space<semaphore_mem>>
      %dma_start3A = arith.constant 0 : i32
      %dma_start3A_13 = arith.constant 0 : i32
      %dma_start3A_14 = tpu.memref_slice %arg4[%add3A, %dma_start3A, %dma_start3A_13] : memref<32x79x128xi32, #tpu.memory_space<hbm>> -> memref<1x79x128xi32, #tpu.memory_space<hbm>>
      %dma_start3A_15 = tpu.memref_squeeze %dma_start3A_14 : memref<1x79x128xi32, #tpu.memory_space<hbm>> -> memref<79x128xi32, #tpu.memory_space<hbm>>
      %dma_start3A_16 = arith.constant 0 : i32
      %dma_start3A_17 = arith.constant 0 : i32
      %dma_start3A_18 = tpu.memref_slice %arg4[%add3A, %dma_start3A_16, %dma_start3A_17] : memref<32x79x128xi32, #tpu.memory_space<hbm>> -> memref<1x79x128xi32, #tpu.memory_space<hbm>>
      %dma_start3A_19 = tpu.memref_squeeze %dma_start3A_18 : memref<1x79x128xi32, #tpu.memory_space<hbm>> -> memref<79x128xi32, #tpu.memory_space<hbm>>
      tpu.enqueue_dma source(%dma_start3A_19 : memref<79x128xi32, #tpu.memory_space<hbm>>) target(%arg11 : memref<79x128xi32, #tpu.memory_space<vmem>>) target_semaphore(%run_scoped3A : memref<!tpu.dma_semaphore, #tpu.memory_space<semaphore_mem>>)
      %dma_wait3A = arith.constant 0 : i32
      %dma_wait3A_20 = arith.constant 0 : i32
      %dma_wait3A_21 = tpu.memref_slice %arg4[%add3A, %dma_wait3A, %dma_wait3A_20] : memref<32x79x128xi32, #tpu.memory_space<hbm>> -> memref<1x79x128xi32, #tpu.memory_space<hbm>>
      %dma_wait3A_22 = tpu.memref_squeeze %dma_wait3A_21 : memref<1x79x128xi32, #tpu.memory_space<hbm>> -> memref<79x128xi32, #tpu.memory_space<hbm>>
      %dma_wait3A_23 = arith.constant 0 : i32
      %dma_wait3A_24 = arith.constant 0 : i32
      %dma_wait3A_25 = tpu.memref_slice %arg4[%add3A, %dma_wait3A_23, %dma_wait3A_24] : memref<32x79x128xi32, #tpu.memory_space<hbm>> -> memref<1x79x128xi32, #tpu.memory_space<hbm>>
      %dma_wait3A_26 = tpu.memref_squeeze %dma_wait3A_25 : memref<1x79x128xi32, #tpu.memory_space<hbm>> -> memref<79x128xi32, #tpu.memory_space<hbm>>
      tpu.wait_dma2 semaphore(%run_scoped3A : memref<!tpu.dma_semaphore, #tpu.memory_space<semaphore_mem>>) src(%dma_wait3A_26 : memref<79x128xi32, #tpu.memory_space<hbm>>) dst(%arg11 : memref<79x128xi32, #tpu.memory_space<vmem>>)
      tpu.yield
    }) : () -> ()
    "tpu.region"() ({
      %run_scoped3A = tpu.sem_alloc : memref<!tpu.dma_semaphore, #tpu.memory_space<semaphore_mem>>
      tpu.enqueue_dma source(%arg5 : memref<128x128xf32, #tpu.memory_space<hbm>>) target(%arg13 : memref<128x128xf32, #tpu.memory_space<vmem>>) target_semaphore(%run_scoped3A : memref<!tpu.dma_semaphore, #tpu.memory_space<semaphore_mem>>)
      tpu.wait_dma2 semaphore(%run_scoped3A : memref<!tpu.dma_semaphore, #tpu.memory_space<semaphore_mem>>) src(%arg5 : memref<128x128xf32, #tpu.memory_space<hbm>>) dst(%arg13 : memref<128x128xf32, #tpu.memory_space<vmem>>)
      tpu.yield
    }) : () -> ()
    %barrier3A = arith.constant 0 : index
    tpu.barrier barrier_id(%barrier3A)
    %scan3A = arith.constant 0 : i32
    %scan3A_5 = arith.constant 0 : i32
    %scan3A_6 = arith.constant 79 : i32
    %scan3A_7 = arith.addi %scan3A_5, %scan3A_6 : i32
    %scan3A_8 = arith.constant 1 : i32
    scf.for %scan3A_13 = %scan3A_5 to %scan3A_7 step %scan3A_8  : i32 {
      %dma_start3A = arith.constant 0 : i32
      %dma_start3A_14 = tpu.memref_slice %arg10[%scan3A_13, %dma_start3A] : memref<79x128xi32, #tpu.memory_space<vmem>> -> memref<1x128xi32, #tpu.memory_space<vmem>>
      %dma_start3A_15 = tpu.memref_squeeze %dma_start3A_14 : memref<1x128xi32, #tpu.memory_space<vmem>> -> memref<128xi32, #tpu.memory_space<vmem>>
      %dma_start3A_16 = arith.constant 0 : i32
      %dma_start3A_17 = arith.constant 0 : i32
      %dma_start3A_18 = tpu.memref_slice %arg2[%dma_start3A_16, %dma_start3A_17] : memref<10000x128xf32, #tpu.memory_space<hbm>> -> memref<10000x128xf32, #tpu.memory_space<hbm>>
      tpu.enqueue_indirect_dma source(%dma_start3A_18 : memref<10000x128xf32, #tpu.memory_space<hbm>>) target(%arg12 : memref<128x128xf32, #tpu.memory_space<vmem>>) offsets(%dma_start3A_15 : memref<128xi32, #tpu.memory_space<vmem>>) semaphore(%arg16 : memref<!tpu.dma_semaphore, #tpu.memory_space<semaphore_mem>>)
      %dma_wait3A = arith.constant 0 : i32
      %dma_wait3A_19 = tpu.memref_slice %arg10[%scan3A_13, %dma_wait3A] : memref<79x128xi32, #tpu.memory_space<vmem>> -> memref<1x128xi32, #tpu.memory_space<vmem>>
      %dma_wait3A_20 = tpu.memref_squeeze %dma_wait3A_19 : memref<1x128xi32, #tpu.memory_space<vmem>> -> memref<128xi32, #tpu.memory_space<vmem>>
      %dma_wait3A_21 = arith.constant 0 : i32
      %dma_wait3A_22 = arith.constant 0 : i32
      %dma_wait3A_23 = tpu.memref_slice %arg2[%dma_wait3A_21, %dma_wait3A_22] : memref<10000x128xf32, #tpu.memory_space<hbm>> -> memref<10000x128xf32, #tpu.memory_space<hbm>>
      tpu.wait_indirect_dma semaphore(%arg16 : memref<!tpu.dma_semaphore, #tpu.memory_space<semaphore_mem>>) src(%dma_wait3A_23 : memref<10000x128xf32, #tpu.memory_space<hbm>>) dst(%arg12 : memref<128x128xf32, #tpu.memory_space<vmem>>)
      "tpu.region"() ({
        %run_scoped3A = tpu.sem_alloc : memref<!tpu.dma_semaphore, #tpu.memory_space<semaphore_mem>>
        %dma_start3A_24 = arith.constant 0 : i32
        %dma_start3A_25 = tpu.memref_slice %arg11[%scan3A_13, %dma_start3A_24] : memref<79x128xi32, #tpu.memory_space<vmem>> -> memref<1x128xi32, #tpu.memory_space<vmem>>
        %dma_start3A_26 = tpu.memref_squeeze %dma_start3A_25 : memref<1x128xi32, #tpu.memory_space<vmem>> -> memref<128xi32, #tpu.memory_space<vmem>>
        %dma_start3A_27 = arith.constant 0 : i32
        %dma_start3A_28 = arith.constant 0 : i32
        %dma_start3A_29 = tpu.memref_slice %arg14[%dma_start3A_27, %dma_start3A_28] : memref<2048x128xf32, #tpu.memory_space<vmem_shared>> -> memref<2048x128xf32, #tpu.memory_space<vmem_shared>>
        tpu.enqueue_indirect_dma source(%arg12 : memref<128x128xf32, #tpu.memory_space<vmem>>) target(%dma_start3A_29 : memref<2048x128xf32, #tpu.memory_space<vmem_shared>>) offsets(%dma_start3A_26 : memref<128xi32, #tpu.memory_space<vmem>>) semaphore(%run_scoped3A : memref<!tpu.dma_semaphore, #tpu.memory_space<semaphore_mem>>) {add = true}
        %dma_wait3A_30 = arith.constant 0 : i32
        %dma_wait3A_31 = tpu.memref_slice %arg11[%scan3A_13, %dma_wait3A_30] : memref<79x128xi32, #tpu.memory_space<vmem>> -> memref<1x128xi32, #tpu.memory_space<vmem>>
        %dma_wait3A_32 = tpu.memref_squeeze %dma_wait3A_31 : memref<1x128xi32, #tpu.memory_space<vmem>> -> memref<128xi32, #tpu.memory_space<vmem>>
        %dma_wait3A_33 = arith.constant 0 : i32
        %dma_wait3A_34 = arith.constant 0 : i32
        %dma_wait3A_35 = tpu.memref_slice %arg14[%dma_wait3A_33, %dma_wait3A_34] : memref<2048x128xf32, #tpu.memory_space<vmem_shared>> -> memref<2048x128xf32, #tpu.memory_space<vmem_shared>>
        tpu.wait_indirect_dma semaphore(%run_scoped3A : memref<!tpu.dma_semaphore, #tpu.memory_space<semaphore_mem>>) src(%arg12 : memref<128x128xf32, #tpu.memory_space<vmem>>) dst(%dma_wait3A_35 : memref<2048x128xf32, #tpu.memory_space<vmem_shared>>)
        tpu.yield
      }) : () -> ()
      "tpu.region"() ({
        %run_scoped3A = tpu.sem_alloc : memref<!tpu.dma_semaphore, #tpu.memory_space<semaphore_mem>>
        %dma_start3A_24 = arith.constant 0 : i32
        %dma_start3A_25 = tpu.memref_slice %arg11[%scan3A_13, %dma_start3A_24] : memref<79x128xi32, #tpu.memory_space<vmem>> -> memref<1x128xi32, #tpu.memory_space<vmem>>
        %dma_start3A_26 = tpu.memref_squeeze %dma_start3A_25 : memref<1x128xi32, #tpu.memory_space<vmem>> -> memref<128xi32, #tpu.memory_space<vmem>>
        %dma_start3A_27 = arith.constant 0 : i32
        %dma_start3A_28 = arith.constant 0 : i32
        %dma_start3A_29 = tpu.memref_slice %arg15[%dma_start3A_27, %dma_start3A_28] : memref<2048x128xf32, #tpu.memory_space<vmem_shared>> -> memref<2048x128xf32, #tpu.memory_space<vmem_shared>>
        tpu.enqueue_indirect_dma source(%arg13 : memref<128x128xf32, #tpu.memory_space<vmem>>) target(%dma_start3A_29 : memref<2048x128xf32, #tpu.memory_space<vmem_shared>>) offsets(%dma_start3A_26 : memref<128xi32, #tpu.memory_space<vmem>>) semaphore(%run_scoped3A : memref<!tpu.dma_semaphore, #tpu.memory_space<semaphore_mem>>) {add = true}
        %dma_wait3A_30 = arith.constant 0 : i32
        %dma_wait3A_31 = tpu.memref_slice %arg11[%scan3A_13, %dma_wait3A_30] : memref<79x128xi32, #tpu.memory_space<vmem>> -> memref<1x128xi32, #tpu.memory_space<vmem>>
        %dma_wait3A_32 = tpu.memref_squeeze %dma_wait3A_31 : memref<1x128xi32, #tpu.memory_space<vmem>> -> memref<128xi32, #tpu.memory_space<vmem>>
        %dma_wait3A_33 = arith.constant 0 : i32
        %dma_wait3A_34 = arith.constant 0 : i32
        %dma_wait3A_35 = tpu.memref_slice %arg15[%dma_wait3A_33, %dma_wait3A_34] : memref<2048x128xf32, #tpu.memory_space<vmem_shared>> -> memref<2048x128xf32, #tpu.memory_space<vmem_shared>>
        tpu.wait_indirect_dma semaphore(%run_scoped3A : memref<!tpu.dma_semaphore, #tpu.memory_space<semaphore_mem>>) src(%arg13 : memref<128x128xf32, #tpu.memory_space<vmem>>) dst(%dma_wait3A_35 : memref<2048x128xf32, #tpu.memory_space<vmem_shared>>)
        tpu.yield
      }) : () -> ()
    }
    %scan3A_9 = arith.constant 79 : i32
    %barrier3A_10 = arith.constant 0 : index
    tpu.barrier barrier_id(%barrier3A_10)
    %eq3A = arith.constant 0 : i32
    %eq3A_11 = arith.cmpi eq, %arg1, %eq3A : i32
    %convert_element_type3A = arith.extui %eq3A_11 : i1 to i32
    %cond3A = arith.constant 0 : i32
    %cond3A_12 = arith.cmpi ne, %convert_element_type3A, %cond3A : i32
    scf.if %cond3A_12 {
      "tpu.region"() ({
        %run_scoped3A = tpu.sem_alloc : memref<!tpu.dma_semaphore, #tpu.memory_space<semaphore_mem>>
        %dma_start3A = arith.constant 0 : i32
        %dma_start3A_13 = arith.constant 0 : i32
        %dma_start3A_14 = tpu.memref_slice %arg8[%arg0, %dma_start3A, %dma_start3A_13] : memref<2x2048x128xf32, #tpu.memory_space<hbm>> -> memref<1x2048x128xf32, #tpu.memory_space<hbm>>
        %dma_start3A_15 = tpu.memref_squeeze %dma_start3A_14 : memref<1x2048x128xf32, #tpu.memory_space<hbm>> -> memref<2048x128xf32, #tpu.memory_space<hbm>>
        tpu.enqueue_dma source(%arg14 : memref<2048x128xf32, #tpu.memory_space<vmem_shared>>) target(%dma_start3A_15 : memref<2048x128xf32, #tpu.memory_space<hbm>>) target_semaphore(%run_scoped3A : memref<!tpu.dma_semaphore, #tpu.memory_space<semaphore_mem>>)
        %dma_wait3A = arith.constant 0 : i32
        %dma_wait3A_16 = arith.constant 0 : i32
        %dma_wait3A_17 = tpu.memref_slice %arg8[%arg0, %dma_wait3A, %dma_wait3A_16] : memref<2x2048x128xf32, #tpu.memory_space<hbm>> -> memref<1x2048x128xf32, #tpu.memory_space<hbm>>
        %dma_wait3A_18 = tpu.memref_squeeze %dma_wait3A_17 : memref<1x2048x128xf32, #tpu.memory_space<hbm>> -> memref<2048x128xf32, #tpu.memory_space<hbm>>
        tpu.wait_dma2 semaphore(%run_scoped3A : memref<!tpu.dma_semaphore, #tpu.memory_space<semaphore_mem>>) src(%arg14 : memref<2048x128xf32, #tpu.memory_space<vmem_shared>>) dst(%dma_wait3A_18 : memref<2048x128xf32, #tpu.memory_space<hbm>>)
        tpu.yield
      }) : () -> ()
      "tpu.region"() ({
        %run_scoped3A = tpu.sem_alloc : memref<!tpu.dma_semaphore, #tpu.memory_space<semaphore_mem>>
        %dma_start3A = arith.constant 0 : i32
        %dma_start3A_13 = arith.constant 0 : i32
        %dma_start3A_14 = tpu.memref_slice %arg9[%arg0, %dma_start3A, %dma_start3A_13] : memref<2x2048x128xf32, #tpu.memory_space<hbm>> -> memref<1x2048x128xf32, #tpu.memory_space<hbm>>
        %dma_start3A_15 = tpu.memref_squeeze %dma_start3A_14 : memref<1x2048x128xf32, #tpu.memory_space<hbm>> -> memref<2048x128xf32, #tpu.memory_space<hbm>>
        tpu.enqueue_dma source(%arg15 : memref<2048x128xf32, #tpu.memory_space<vmem_shared>>) target(%dma_start3A_15 : memref<2048x128xf32, #tpu.memory_space<hbm>>) target_semaphore(%run_scoped3A : memref<!tpu.dma_semaphore, #tpu.memory_space<semaphore_mem>>)
        %dma_wait3A = arith.constant 0 : i32
        %dma_wait3A_16 = arith.constant 0 : i32
        %dma_wait3A_17 = tpu.memref_slice %arg9[%arg0, %dma_wait3A, %dma_wait3A_16] : memref<2x2048x128xf32, #tpu.memory_space<hbm>> -> memref<1x2048x128xf32, #tpu.memory_space<hbm>>
        %dma_wait3A_18 = tpu.memref_squeeze %dma_wait3A_17 : memref<1x2048x128xf32, #tpu.memory_space<hbm>> -> memref<2048x128xf32, #tpu.memory_space<hbm>>
        tpu.wait_dma2 semaphore(%run_scoped3A : memref<!tpu.dma_semaphore, #tpu.memory_space<semaphore_mem>>) src(%arg15 : memref<2048x128xf32, #tpu.memory_space<vmem_shared>>) dst(%dma_wait3A_18 : memref<2048x128xf32, #tpu.memory_space<hbm>>)
        tpu.yield
      }) : () -> ()
    } else {
    }
    return
  }
}

#map = affine_map<(d0, d1) -> (0, 0)>
#map1 = affine_map<(d0, d1) -> (0, 0, 0)>
module attributes {stable_mosaic.version = 14 : i64} {
  func.func @k(%arg0: i32, %arg1: i32, %arg2: memref<2048x128xf32, #tpu.memory_space<hbm>>, %arg3: memref<32x16x128xi32, #tpu.memory_space<hbm>>, %arg4: memref<32x16x128xi32, #tpu.memory_space<hbm>>, %arg5: memref<128x128xf32, #tpu.memory_space<hbm>>, %arg6: memref<32x128xf32, #tpu.memory_space<hbm>>, %arg7: memref<32x128xf32, #tpu.memory_space<hbm>>, %arg8: memref<2x512x128xf32, #tpu.memory_space<hbm>>, %arg9: memref<2x512x128xf32, #tpu.memory_space<hbm>>, %arg10: memref<16x128xi32, #tpu.memory_space<vmem>>, %arg11: memref<16x128xi32, #tpu.memory_space<vmem>>, %arg12: memref<128x128xf32, #tpu.memory_space<vmem>>, %arg13: memref<128x128xf32, #tpu.memory_space<vmem>>, %arg14: memref<512x128xf32, #tpu.memory_space<vmem_shared>>, %arg15: memref<512x128xf32, #tpu.memory_space<vmem_shared>>, %arg16: memref<!tpu.dma_semaphore, #tpu.memory_space<semaphore_mem>>) attributes {dimension_semantics = [#tpu.dimension_semantics<core_parallel>, #tpu.dimension_semantics<subcore_parallel>], iteration_bounds = array<i64: 2, 16>, scalar_prefetch = 0 : i64, scratch_operands = 7 : i64, tpu.core_type = #tpu.core_type<sc_vector_subcore>, window_params = [{transform_indices = #map}, {transform_indices = #map1}, {transform_indices = #map1}, {transform_indices = #map}, {transform_indices = #map}, {transform_indices = #map}, {transform_indices = #map1}, {transform_indices = #map1}]} {
    %mul3A = arith.constant 2 : i32
    %mul3A_0 = arith.muli %arg1, %mul3A : i32
    %add3A = arith.addi %mul3A_0, %arg0 : i32
    %mul3A_1 = arith.constant 32 : i32
    %mul3A_2 = arith.muli %arg1, %mul3A_1 : i32
    "tpu.region"() ({
      %run_scoped3A = tpu.sem_alloc : memref<!tpu.dma_semaphore, #tpu.memory_space<semaphore_mem>>
      %dma_start3A = arith.constant 0 : i32
      %dma_start3A_13 = tpu.memref_slice %arg14[%mul3A_2, %dma_start3A] : memref<512x128xf32, #tpu.memory_space<vmem_shared>> -> memref<32x128xf32, #tpu.memory_space<vmem_shared>>
      tpu.enqueue_dma source(%arg6 : memref<32x128xf32, #tpu.memory_space<hbm>>) target(%dma_start3A_13 : memref<32x128xf32, #tpu.memory_space<vmem_shared>>) target_semaphore(%run_scoped3A : memref<!tpu.dma_semaphore, #tpu.memory_space<semaphore_mem>>)
      %dma_wait3A = arith.constant 0 : i32
      %dma_wait3A_14 = tpu.memref_slice %arg14[%mul3A_2, %dma_wait3A] : memref<512x128xf32, #tpu.memory_space<vmem_shared>> -> memref<32x128xf32, #tpu.memory_space<vmem_shared>>
      tpu.wait_dma2 semaphore(%run_scoped3A : memref<!tpu.dma_semaphore, #tpu.memory_space<semaphore_mem>>) src(%arg6 : memref<32x128xf32, #tpu.memory_space<hbm>>) dst(%dma_wait3A_14 : memref<32x128xf32, #tpu.memory_space<vmem_shared>>)
      tpu.yield
    }) : () -> ()
    %mul3A_3 = arith.constant 32 : i32
    %mul3A_4 = arith.muli %arg1, %mul3A_3 : i32
    "tpu.region"() ({
      %run_scoped3A = tpu.sem_alloc : memref<!tpu.dma_semaphore, #tpu.memory_space<semaphore_mem>>
      %dma_start3A = arith.constant 0 : i32
      %dma_start3A_13 = tpu.memref_slice %arg15[%mul3A_4, %dma_start3A] : memref<512x128xf32, #tpu.memory_space<vmem_shared>> -> memref<32x128xf32, #tpu.memory_space<vmem_shared>>
      tpu.enqueue_dma source(%arg7 : memref<32x128xf32, #tpu.memory_space<hbm>>) target(%dma_start3A_13 : memref<32x128xf32, #tpu.memory_space<vmem_shared>>) target_semaphore(%run_scoped3A : memref<!tpu.dma_semaphore, #tpu.memory_space<semaphore_mem>>)
      %dma_wait3A = arith.constant 0 : i32
      %dma_wait3A_14 = tpu.memref_slice %arg15[%mul3A_4, %dma_wait3A] : memref<512x128xf32, #tpu.memory_space<vmem_shared>> -> memref<32x128xf32, #tpu.memory_space<vmem_shared>>
      tpu.wait_dma2 semaphore(%run_scoped3A : memref<!tpu.dma_semaphore, #tpu.memory_space<semaphore_mem>>) src(%arg7 : memref<32x128xf32, #tpu.memory_space<hbm>>) dst(%dma_wait3A_14 : memref<32x128xf32, #tpu.memory_space<vmem_shared>>)
      tpu.yield
    }) : () -> ()
    "tpu.region"() ({
      %run_scoped3A = tpu.sem_alloc : memref<!tpu.dma_semaphore, #tpu.memory_space<semaphore_mem>>
      %dma_start3A = arith.constant 0 : i32
      %dma_start3A_13 = arith.constant 0 : i32
      %dma_start3A_14 = tpu.memref_slice %arg3[%add3A, %dma_start3A, %dma_start3A_13] : memref<32x16x128xi32, #tpu.memory_space<hbm>> -> memref<1x16x128xi32, #tpu.memory_space<hbm>>
      %dma_start3A_15 = tpu.memref_squeeze %dma_start3A_14 : memref<1x16x128xi32, #tpu.memory_space<hbm>> -> memref<16x128xi32, #tpu.memory_space<hbm>>
      %dma_start3A_16 = arith.constant 0 : i32
      %dma_start3A_17 = arith.constant 0 : i32
      %dma_start3A_18 = tpu.memref_slice %arg3[%add3A, %dma_start3A_16, %dma_start3A_17] : memref<32x16x128xi32, #tpu.memory_space<hbm>> -> memref<1x16x128xi32, #tpu.memory_space<hbm>>
      %dma_start3A_19 = tpu.memref_squeeze %dma_start3A_18 : memref<1x16x128xi32, #tpu.memory_space<hbm>> -> memref<16x128xi32, #tpu.memory_space<hbm>>
      tpu.enqueue_dma source(%dma_start3A_19 : memref<16x128xi32, #tpu.memory_space<hbm>>) target(%arg10 : memref<16x128xi32, #tpu.memory_space<vmem>>) target_semaphore(%run_scoped3A : memref<!tpu.dma_semaphore, #tpu.memory_space<semaphore_mem>>)
      %dma_wait3A = arith.constant 0 : i32
      %dma_wait3A_20 = arith.constant 0 : i32
      %dma_wait3A_21 = tpu.memref_slice %arg3[%add3A, %dma_wait3A, %dma_wait3A_20] : memref<32x16x128xi32, #tpu.memory_space<hbm>> -> memref<1x16x128xi32, #tpu.memory_space<hbm>>
      %dma_wait3A_22 = tpu.memref_squeeze %dma_wait3A_21 : memref<1x16x128xi32, #tpu.memory_space<hbm>> -> memref<16x128xi32, #tpu.memory_space<hbm>>
      %dma_wait3A_23 = arith.constant 0 : i32
      %dma_wait3A_24 = arith.constant 0 : i32
      %dma_wait3A_25 = tpu.memref_slice %arg3[%add3A, %dma_wait3A_23, %dma_wait3A_24] : memref<32x16x128xi32, #tpu.memory_space<hbm>> -> memref<1x16x128xi32, #tpu.memory_space<hbm>>
      %dma_wait3A_26 = tpu.memref_squeeze %dma_wait3A_25 : memref<1x16x128xi32, #tpu.memory_space<hbm>> -> memref<16x128xi32, #tpu.memory_space<hbm>>
      tpu.wait_dma2 semaphore(%run_scoped3A : memref<!tpu.dma_semaphore, #tpu.memory_space<semaphore_mem>>) src(%dma_wait3A_26 : memref<16x128xi32, #tpu.memory_space<hbm>>) dst(%arg10 : memref<16x128xi32, #tpu.memory_space<vmem>>)
      tpu.yield
    }) : () -> ()
    "tpu.region"() ({
      %run_scoped3A = tpu.sem_alloc : memref<!tpu.dma_semaphore, #tpu.memory_space<semaphore_mem>>
      %dma_start3A = arith.constant 0 : i32
      %dma_start3A_13 = arith.constant 0 : i32
      %dma_start3A_14 = tpu.memref_slice %arg4[%add3A, %dma_start3A, %dma_start3A_13] : memref<32x16x128xi32, #tpu.memory_space<hbm>> -> memref<1x16x128xi32, #tpu.memory_space<hbm>>
      %dma_start3A_15 = tpu.memref_squeeze %dma_start3A_14 : memref<1x16x128xi32, #tpu.memory_space<hbm>> -> memref<16x128xi32, #tpu.memory_space<hbm>>
      %dma_start3A_16 = arith.constant 0 : i32
      %dma_start3A_17 = arith.constant 0 : i32
      %dma_start3A_18 = tpu.memref_slice %arg4[%add3A, %dma_start3A_16, %dma_start3A_17] : memref<32x16x128xi32, #tpu.memory_space<hbm>> -> memref<1x16x128xi32, #tpu.memory_space<hbm>>
      %dma_start3A_19 = tpu.memref_squeeze %dma_start3A_18 : memref<1x16x128xi32, #tpu.memory_space<hbm>> -> memref<16x128xi32, #tpu.memory_space<hbm>>
      tpu.enqueue_dma source(%dma_start3A_19 : memref<16x128xi32, #tpu.memory_space<hbm>>) target(%arg11 : memref<16x128xi32, #tpu.memory_space<vmem>>) target_semaphore(%run_scoped3A : memref<!tpu.dma_semaphore, #tpu.memory_space<semaphore_mem>>)
      %dma_wait3A = arith.constant 0 : i32
      %dma_wait3A_20 = arith.constant 0 : i32
      %dma_wait3A_21 = tpu.memref_slice %arg4[%add3A, %dma_wait3A, %dma_wait3A_20] : memref<32x16x128xi32, #tpu.memory_space<hbm>> -> memref<1x16x128xi32, #tpu.memory_space<hbm>>
      %dma_wait3A_22 = tpu.memref_squeeze %dma_wait3A_21 : memref<1x16x128xi32, #tpu.memory_space<hbm>> -> memref<16x128xi32, #tpu.memory_space<hbm>>
      %dma_wait3A_23 = arith.constant 0 : i32
      %dma_wait3A_24 = arith.constant 0 : i32
      %dma_wait3A_25 = tpu.memref_slice %arg4[%add3A, %dma_wait3A_23, %dma_wait3A_24] : memref<32x16x128xi32, #tpu.memory_space<hbm>> -> memref<1x16x128xi32, #tpu.memory_space<hbm>>
      %dma_wait3A_26 = tpu.memref_squeeze %dma_wait3A_25 : memref<1x16x128xi32, #tpu.memory_space<hbm>> -> memref<16x128xi32, #tpu.memory_space<hbm>>
      tpu.wait_dma2 semaphore(%run_scoped3A : memref<!tpu.dma_semaphore, #tpu.memory_space<semaphore_mem>>) src(%dma_wait3A_26 : memref<16x128xi32, #tpu.memory_space<hbm>>) dst(%arg11 : memref<16x128xi32, #tpu.memory_space<vmem>>)
      tpu.yield
    }) : () -> ()
    "tpu.region"() ({
      %run_scoped3A = tpu.sem_alloc : memref<!tpu.dma_semaphore, #tpu.memory_space<semaphore_mem>>
      tpu.enqueue_dma source(%arg5 : memref<128x128xf32, #tpu.memory_space<hbm>>) target(%arg13 : memref<128x128xf32, #tpu.memory_space<vmem>>) target_semaphore(%run_scoped3A : memref<!tpu.dma_semaphore, #tpu.memory_space<semaphore_mem>>)
      tpu.wait_dma2 semaphore(%run_scoped3A : memref<!tpu.dma_semaphore, #tpu.memory_space<semaphore_mem>>) src(%arg5 : memref<128x128xf32, #tpu.memory_space<hbm>>) dst(%arg13 : memref<128x128xf32, #tpu.memory_space<vmem>>)
      tpu.yield
    }) : () -> ()
    %barrier3A = arith.constant 0 : index
    tpu.barrier barrier_id(%barrier3A)
    %scan3A = arith.constant 0 : i32
    %scan3A_5 = arith.constant 0 : i32
    %scan3A_6 = arith.constant 16 : i32
    %scan3A_7 = arith.addi %scan3A_5, %scan3A_6 : i32
    %scan3A_8 = arith.constant 1 : i32
    scf.for %scan3A_13 = %scan3A_5 to %scan3A_7 step %scan3A_8  : i32 {
      %dma_start3A = arith.constant 0 : i32
      %dma_start3A_14 = tpu.memref_slice %arg10[%scan3A_13, %dma_start3A] : memref<16x128xi32, #tpu.memory_space<vmem>> -> memref<1x128xi32, #tpu.memory_space<vmem>>
      %dma_start3A_15 = tpu.memref_squeeze %dma_start3A_14 : memref<1x128xi32, #tpu.memory_space<vmem>> -> memref<128xi32, #tpu.memory_space<vmem>>
      %dma_start3A_16 = arith.constant 0 : i32
      %dma_start3A_17 = arith.constant 0 : i32
      %dma_start3A_18 = tpu.memref_slice %arg2[%dma_start3A_16, %dma_start3A_17] : memref<2048x128xf32, #tpu.memory_space<hbm>> -> memref<2048x128xf32, #tpu.memory_space<hbm>>
      tpu.enqueue_indirect_dma source(%dma_start3A_18 : memref<2048x128xf32, #tpu.memory_space<hbm>>) target(%arg12 : memref<128x128xf32, #tpu.memory_space<vmem>>) offsets(%dma_start3A_15 : memref<128xi32, #tpu.memory_space<vmem>>) semaphore(%arg16 : memref<!tpu.dma_semaphore, #tpu.memory_space<semaphore_mem>>)
      %dma_wait3A = arith.constant 0 : i32
      %dma_wait3A_19 = tpu.memref_slice %arg10[%scan3A_13, %dma_wait3A] : memref<16x128xi32, #tpu.memory_space<vmem>> -> memref<1x128xi32, #tpu.memory_space<vmem>>
      %dma_wait3A_20 = tpu.memref_squeeze %dma_wait3A_19 : memref<1x128xi32, #tpu.memory_space<vmem>> -> memref<128xi32, #tpu.memory_space<vmem>>
      %dma_wait3A_21 = arith.constant 0 : i32
      %dma_wait3A_22 = arith.constant 0 : i32
      %dma_wait3A_23 = tpu.memref_slice %arg2[%dma_wait3A_21, %dma_wait3A_22] : memref<2048x128xf32, #tpu.memory_space<hbm>> -> memref<2048x128xf32, #tpu.memory_space<hbm>>
      tpu.wait_indirect_dma semaphore(%arg16 : memref<!tpu.dma_semaphore, #tpu.memory_space<semaphore_mem>>) src(%dma_wait3A_23 : memref<2048x128xf32, #tpu.memory_space<hbm>>) dst(%arg12 : memref<128x128xf32, #tpu.memory_space<vmem>>)
      "tpu.region"() ({
        %run_scoped3A = tpu.sem_alloc : memref<!tpu.dma_semaphore, #tpu.memory_space<semaphore_mem>>
        %dma_start3A_24 = arith.constant 0 : i32
        %dma_start3A_25 = tpu.memref_slice %arg11[%scan3A_13, %dma_start3A_24] : memref<16x128xi32, #tpu.memory_space<vmem>> -> memref<1x128xi32, #tpu.memory_space<vmem>>
        %dma_start3A_26 = tpu.memref_squeeze %dma_start3A_25 : memref<1x128xi32, #tpu.memory_space<vmem>> -> memref<128xi32, #tpu.memory_space<vmem>>
        %dma_start3A_27 = arith.constant 0 : i32
        %dma_start3A_28 = arith.constant 0 : i32
        %dma_start3A_29 = tpu.memref_slice %arg14[%dma_start3A_27, %dma_start3A_28] : memref<512x128xf32, #tpu.memory_space<vmem_shared>> -> memref<512x128xf32, #tpu.memory_space<vmem_shared>>
        tpu.enqueue_indirect_dma source(%arg12 : memref<128x128xf32, #tpu.memory_space<vmem>>) target(%dma_start3A_29 : memref<512x128xf32, #tpu.memory_space<vmem_shared>>) offsets(%dma_start3A_26 : memref<128xi32, #tpu.memory_space<vmem>>) semaphore(%run_scoped3A : memref<!tpu.dma_semaphore, #tpu.memory_space<semaphore_mem>>) {add = true}
        %dma_wait3A_30 = arith.constant 0 : i32
        %dma_wait3A_31 = tpu.memref_slice %arg11[%scan3A_13, %dma_wait3A_30] : memref<16x128xi32, #tpu.memory_space<vmem>> -> memref<1x128xi32, #tpu.memory_space<vmem>>
        %dma_wait3A_32 = tpu.memref_squeeze %dma_wait3A_31 : memref<1x128xi32, #tpu.memory_space<vmem>> -> memref<128xi32, #tpu.memory_space<vmem>>
        %dma_wait3A_33 = arith.constant 0 : i32
        %dma_wait3A_34 = arith.constant 0 : i32
        %dma_wait3A_35 = tpu.memref_slice %arg14[%dma_wait3A_33, %dma_wait3A_34] : memref<512x128xf32, #tpu.memory_space<vmem_shared>> -> memref<512x128xf32, #tpu.memory_space<vmem_shared>>
        tpu.wait_indirect_dma semaphore(%run_scoped3A : memref<!tpu.dma_semaphore, #tpu.memory_space<semaphore_mem>>) src(%arg12 : memref<128x128xf32, #tpu.memory_space<vmem>>) dst(%dma_wait3A_35 : memref<512x128xf32, #tpu.memory_space<vmem_shared>>)
        tpu.yield
      }) : () -> ()
      "tpu.region"() ({
        %run_scoped3A = tpu.sem_alloc : memref<!tpu.dma_semaphore, #tpu.memory_space<semaphore_mem>>
        %dma_start3A_24 = arith.constant 0 : i32
        %dma_start3A_25 = tpu.memref_slice %arg11[%scan3A_13, %dma_start3A_24] : memref<16x128xi32, #tpu.memory_space<vmem>> -> memref<1x128xi32, #tpu.memory_space<vmem>>
        %dma_start3A_26 = tpu.memref_squeeze %dma_start3A_25 : memref<1x128xi32, #tpu.memory_space<vmem>> -> memref<128xi32, #tpu.memory_space<vmem>>
        %dma_start3A_27 = arith.constant 0 : i32
        %dma_start3A_28 = arith.constant 0 : i32
        %dma_start3A_29 = tpu.memref_slice %arg15[%dma_start3A_27, %dma_start3A_28] : memref<512x128xf32, #tpu.memory_space<vmem_shared>> -> memref<512x128xf32, #tpu.memory_space<vmem_shared>>
        tpu.enqueue_indirect_dma source(%arg13 : memref<128x128xf32, #tpu.memory_space<vmem>>) target(%dma_start3A_29 : memref<512x128xf32, #tpu.memory_space<vmem_shared>>) offsets(%dma_start3A_26 : memref<128xi32, #tpu.memory_space<vmem>>) semaphore(%run_scoped3A : memref<!tpu.dma_semaphore, #tpu.memory_space<semaphore_mem>>) {add = true}
        %dma_wait3A_30 = arith.constant 0 : i32
        %dma_wait3A_31 = tpu.memref_slice %arg11[%scan3A_13, %dma_wait3A_30] : memref<16x128xi32, #tpu.memory_space<vmem>> -> memref<1x128xi32, #tpu.memory_space<vmem>>
        %dma_wait3A_32 = tpu.memref_squeeze %dma_wait3A_31 : memref<1x128xi32, #tpu.memory_space<vmem>> -> memref<128xi32, #tpu.memory_space<vmem>>
        %dma_wait3A_33 = arith.constant 0 : i32
        %dma_wait3A_34 = arith.constant 0 : i32
        %dma_wait3A_35 = tpu.memref_slice %arg15[%dma_wait3A_33, %dma_wait3A_34] : memref<512x128xf32, #tpu.memory_space<vmem_shared>> -> memref<512x128xf32, #tpu.memory_space<vmem_shared>>
        tpu.wait_indirect_dma semaphore(%run_scoped3A : memref<!tpu.dma_semaphore, #tpu.memory_space<semaphore_mem>>) src(%arg13 : memref<128x128xf32, #tpu.memory_space<vmem>>) dst(%dma_wait3A_35 : memref<512x128xf32, #tpu.memory_space<vmem_shared>>)
        tpu.yield
      }) : () -> ()
    }
    %scan3A_9 = arith.constant 16 : i32
    %barrier3A_10 = arith.constant 0 : index
    tpu.barrier barrier_id(%barrier3A_10)
    %eq3A = arith.constant 0 : i32
    %eq3A_11 = arith.cmpi eq, %arg1, %eq3A : i32
    %convert_element_type3A = arith.extui %eq3A_11 : i1 to i32
    %cond3A = arith.constant 0 : i32
    %cond3A_12 = arith.cmpi ne, %convert_element_type3A, %cond3A : i32
    scf.if %cond3A_12 {
      "tpu.region"() ({
        %run_scoped3A = tpu.sem_alloc : memref<!tpu.dma_semaphore, #tpu.memory_space<semaphore_mem>>
        %dma_start3A = arith.constant 0 : i32
        %dma_start3A_13 = arith.constant 0 : i32
        %dma_start3A_14 = tpu.memref_slice %arg8[%arg0, %dma_start3A, %dma_start3A_13] : memref<2x512x128xf32, #tpu.memory_space<hbm>> -> memref<1x512x128xf32, #tpu.memory_space<hbm>>
        %dma_start3A_15 = tpu.memref_squeeze %dma_start3A_14 : memref<1x512x128xf32, #tpu.memory_space<hbm>> -> memref<512x128xf32, #tpu.memory_space<hbm>>
        tpu.enqueue_dma source(%arg14 : memref<512x128xf32, #tpu.memory_space<vmem_shared>>) target(%dma_start3A_15 : memref<512x128xf32, #tpu.memory_space<hbm>>) target_semaphore(%run_scoped3A : memref<!tpu.dma_semaphore, #tpu.memory_space<semaphore_mem>>)
        %dma_wait3A = arith.constant 0 : i32
        %dma_wait3A_16 = arith.constant 0 : i32
        %dma_wait3A_17 = tpu.memref_slice %arg8[%arg0, %dma_wait3A, %dma_wait3A_16] : memref<2x512x128xf32, #tpu.memory_space<hbm>> -> memref<1x512x128xf32, #tpu.memory_space<hbm>>
        %dma_wait3A_18 = tpu.memref_squeeze %dma_wait3A_17 : memref<1x512x128xf32, #tpu.memory_space<hbm>> -> memref<512x128xf32, #tpu.memory_space<hbm>>
        tpu.wait_dma2 semaphore(%run_scoped3A : memref<!tpu.dma_semaphore, #tpu.memory_space<semaphore_mem>>) src(%arg14 : memref<512x128xf32, #tpu.memory_space<vmem_shared>>) dst(%dma_wait3A_18 : memref<512x128xf32, #tpu.memory_space<hbm>>)
        tpu.yield
      }) : () -> ()
      "tpu.region"() ({
        %run_scoped3A = tpu.sem_alloc : memref<!tpu.dma_semaphore, #tpu.memory_space<semaphore_mem>>
        %dma_start3A = arith.constant 0 : i32
        %dma_start3A_13 = arith.constant 0 : i32
        %dma_start3A_14 = tpu.memref_slice %arg9[%arg0, %dma_start3A, %dma_start3A_13] : memref<2x512x128xf32, #tpu.memory_space<hbm>> -> memref<1x512x128xf32, #tpu.memory_space<hbm>>
        %dma_start3A_15 = tpu.memref_squeeze %dma_start3A_14 : memref<1x512x128xf32, #tpu.memory_space<hbm>> -> memref<512x128xf32, #tpu.memory_space<hbm>>
        tpu.enqueue_dma source(%arg15 : memref<512x128xf32, #tpu.memory_space<vmem_shared>>) target(%dma_start3A_15 : memref<512x128xf32, #tpu.memory_space<hbm>>) target_semaphore(%run_scoped3A : memref<!tpu.dma_semaphore, #tpu.memory_space<semaphore_mem>>)
        %dma_wait3A = arith.constant 0 : i32
        %dma_wait3A_16 = arith.constant 0 : i32
        %dma_wait3A_17 = tpu.memref_slice %arg9[%arg0, %dma_wait3A, %dma_wait3A_16] : memref<2x512x128xf32, #tpu.memory_space<hbm>> -> memref<1x512x128xf32, #tpu.memory_space<hbm>>
        %dma_wait3A_18 = tpu.memref_squeeze %dma_wait3A_17 : memref<1x512x128xf32, #tpu.memory_space<hbm>> -> memref<512x128xf32, #tpu.memory_space<hbm>>
        tpu.wait_dma2 semaphore(%run_scoped3A : memref<!tpu.dma_semaphore, #tpu.memory_space<semaphore_mem>>) src(%arg15 : memref<512x128xf32, #tpu.memory_space<vmem_shared>>) dst(%dma_wait3A_18 : memref<512x128xf32, #tpu.memory_space<hbm>>)
        tpu.yield
      }) : () -> ()
    } else {
    }
    return
  }
}

module attributes {stable_mosaic.version = 14 : i64} {
  func.func @body(%arg0: memref<2x2048x128xf32, #tpu.memory_space<vmem>>, %arg1: memref<2x2048x128xf32, #tpu.memory_space<vmem>>, %arg2: memref<2048x128xf32, #tpu.memory_space<vmem>>, %arg3: memref<128x128xf32, #tpu.memory_space<vmem>>, %arg4: memref<1x128xf32, #tpu.memory_space<vmem>>, %arg5: memref<128x128xf32, #tpu.memory_space<vmem>>, %arg6: memref<2048x128xf32, #tpu.memory_space<vmem>>) attributes {dimension_semantics = [], scalar_prefetch = 0 : i64, scratch_operands = 0 : i64, tpu.core_type = #tpu.core_type<tc>} {
    %get3A = arith.constant 0 : index
    %get3A_0 = arith.constant 0 : index
    %get3A_1 = arith.constant 0 : index
    %get3A_2 = vector.load %arg0[%get3A, %get3A_0, %get3A_1] : memref<2x2048x128xf32, #tpu.memory_space<vmem>>, vector<1x2048x128xf32>
    %get3A_3 = vector.shape_cast %get3A_2 : vector<1x2048x128xf32> to vector<2048x128xf32>
    %get3A_4 = arith.constant 1 : index
    %get3A_5 = arith.constant 0 : index
    %get3A_6 = arith.constant 0 : index
    %get3A_7 = vector.load %arg0[%get3A_4, %get3A_5, %get3A_6] : memref<2x2048x128xf32, #tpu.memory_space<vmem>>, vector<1x2048x128xf32>
    %get3A_8 = vector.shape_cast %get3A_7 : vector<1x2048x128xf32> to vector<2048x128xf32>
    %add3A = arith.addf %get3A_3, %get3A_8 : vector<2048x128xf32>
    %get3A_9 = arith.constant 0 : index
    %get3A_10 = arith.constant 0 : index
    %get3A_11 = arith.constant 0 : index
    %get3A_12 = vector.load %arg1[%get3A_9, %get3A_10, %get3A_11] : memref<2x2048x128xf32, #tpu.memory_space<vmem>>, vector<1x2048x128xf32>
    %get3A_13 = vector.shape_cast %get3A_12 : vector<1x2048x128xf32> to vector<2048x128xf32>
    %get3A_14 = arith.constant 1 : index
    %get3A_15 = arith.constant 0 : index
    %get3A_16 = arith.constant 0 : index
    %get3A_17 = vector.load %arg1[%get3A_14, %get3A_15, %get3A_16] : memref<2x2048x128xf32, #tpu.memory_space<vmem>>, vector<1x2048x128xf32>
    %get3A_18 = vector.shape_cast %get3A_17 : vector<1x2048x128xf32> to vector<2048x128xf32>
    %add3A_19 = arith.addf %get3A_13, %get3A_18 : vector<2048x128xf32>
    %max3A = arith.constant 1.000000e+00 : f32
    %max3A_20 = vector.broadcast %max3A : f32 to vector<2048x128xf32>
    %max3A_21 = arith.maximumf %add3A_19, %max3A_20 : vector<2048x128xf32>
    %div3A = arith.divf %add3A, %max3A_21 : vector<2048x128xf32>
    %get3A_22 = arith.constant 0 : index
    %get3A_23 = arith.constant 0 : index
    %get3A_24 = vector.load %arg3[%get3A_22, %get3A_23] : memref<128x128xf32, #tpu.memory_space<vmem>>, vector<128x128xf32>
    %dot_general3A = arith.constant dense<0.000000e+00> : vector<2048x128xf32>
    %dot_general3A_25 = tpu.matmul %div3A, %get3A_24, %dot_general3A {dimension_numbers = #tpu.dot_dimension_numbers<[1], [0], [0], [1], [0, 0, 1, 1], [], []>, transpose_lhs_hint = false} : vector<2048x128xf32>, vector<128x128xf32>, vector<2048x128xf32> -> vector<2048x128xf32>
    %get3A_26 = arith.constant 0 : index
    %get3A_27 = arith.constant 0 : index
    %get3A_28 = vector.load %arg4[%get3A_26, %get3A_27] : memref<1x128xf32, #tpu.memory_space<vmem>>, vector<1x128xf32>
    %add3A_29 = vector.broadcast %get3A_28 : vector<1x128xf32> to vector<2048x128xf32>
    %add3A_30 = arith.addf %dot_general3A_25, %add3A_29 : vector<2048x128xf32>
    %get3A_31 = arith.constant 0 : index
    %get3A_32 = arith.constant 0 : index
    %get3A_33 = vector.load %arg2[%get3A_31, %get3A_32] : memref<2048x128xf32, #tpu.memory_space<vmem>>, vector<2048x128xf32>
    %get3A_34 = arith.constant 0 : index
    %get3A_35 = arith.constant 0 : index
    %get3A_36 = vector.load %arg5[%get3A_34, %get3A_35] : memref<128x128xf32, #tpu.memory_space<vmem>>, vector<128x128xf32>
    %dot_general3A_37 = arith.constant dense<0.000000e+00> : vector<2048x128xf32>
    %dot_general3A_38 = tpu.matmul %get3A_33, %get3A_36, %dot_general3A_37 {dimension_numbers = #tpu.dot_dimension_numbers<[1], [0], [0], [1], [0, 0, 1, 1], [], []>, transpose_lhs_hint = false} : vector<2048x128xf32>, vector<128x128xf32>, vector<2048x128xf32> -> vector<2048x128xf32>
    %add3A_39 = arith.addf %add3A_30, %dot_general3A_38 : vector<2048x128xf32>
    %max3A_40 = arith.constant 0.000000e+00 : f32
    %max3A_41 = vector.broadcast %max3A_40 : f32 to vector<2048x128xf32>
    %max3A_42 = arith.maximumf %add3A_39, %max3A_41 : vector<2048x128xf32>
    %swap3A = arith.constant 0 : index
    %swap3A_43 = arith.constant 0 : index
    %swap3A_44 = vector.load %arg6[%swap3A, %swap3A_43] : memref<2048x128xf32, #tpu.memory_space<vmem>>, vector<2048x128xf32>
    tpu.vector_store %arg6[%swap3A, %swap3A_43], %max3A_42 {strides = array<i32>} : memref<2048x128xf32, #tpu.memory_space<vmem>>, vector<2048x128xf32>,
    return
  }
}

module attributes {stable_mosaic.version = 14 : i64} {
  func.func @body(%arg0: memref<2x512x128xf32, #tpu.memory_space<vmem>>, %arg1: memref<2x512x128xf32, #tpu.memory_space<vmem>>, %arg2: memref<512x128xf32, #tpu.memory_space<vmem>>, %arg3: memref<128x128xf32, #tpu.memory_space<vmem>>, %arg4: memref<1x128xf32, #tpu.memory_space<vmem>>, %arg5: memref<128x128xf32, #tpu.memory_space<vmem>>, %arg6: memref<512x128xf32, #tpu.memory_space<vmem>>) attributes {dimension_semantics = [], scalar_prefetch = 0 : i64, scratch_operands = 0 : i64, tpu.core_type = #tpu.core_type<tc>} {
    %get3A = arith.constant 0 : index
    %get3A_0 = arith.constant 0 : index
    %get3A_1 = arith.constant 0 : index
    %get3A_2 = vector.load %arg0[%get3A, %get3A_0, %get3A_1] : memref<2x512x128xf32, #tpu.memory_space<vmem>>, vector<1x512x128xf32>
    %get3A_3 = vector.shape_cast %get3A_2 : vector<1x512x128xf32> to vector<512x128xf32>
    %get3A_4 = arith.constant 1 : index
    %get3A_5 = arith.constant 0 : index
    %get3A_6 = arith.constant 0 : index
    %get3A_7 = vector.load %arg0[%get3A_4, %get3A_5, %get3A_6] : memref<2x512x128xf32, #tpu.memory_space<vmem>>, vector<1x512x128xf32>
    %get3A_8 = vector.shape_cast %get3A_7 : vector<1x512x128xf32> to vector<512x128xf32>
    %add3A = arith.addf %get3A_3, %get3A_8 : vector<512x128xf32>
    %get3A_9 = arith.constant 0 : index
    %get3A_10 = arith.constant 0 : index
    %get3A_11 = arith.constant 0 : index
    %get3A_12 = vector.load %arg1[%get3A_9, %get3A_10, %get3A_11] : memref<2x512x128xf32, #tpu.memory_space<vmem>>, vector<1x512x128xf32>
    %get3A_13 = vector.shape_cast %get3A_12 : vector<1x512x128xf32> to vector<512x128xf32>
    %get3A_14 = arith.constant 1 : index
    %get3A_15 = arith.constant 0 : index
    %get3A_16 = arith.constant 0 : index
    %get3A_17 = vector.load %arg1[%get3A_14, %get3A_15, %get3A_16] : memref<2x512x128xf32, #tpu.memory_space<vmem>>, vector<1x512x128xf32>
    %get3A_18 = vector.shape_cast %get3A_17 : vector<1x512x128xf32> to vector<512x128xf32>
    %add3A_19 = arith.addf %get3A_13, %get3A_18 : vector<512x128xf32>
    %max3A = arith.constant 1.000000e+00 : f32
    %max3A_20 = vector.broadcast %max3A : f32 to vector<512x128xf32>
    %max3A_21 = arith.maximumf %add3A_19, %max3A_20 : vector<512x128xf32>
    %div3A = arith.divf %add3A, %max3A_21 : vector<512x128xf32>
    %get3A_22 = arith.constant 0 : index
    %get3A_23 = arith.constant 0 : index
    %get3A_24 = vector.load %arg3[%get3A_22, %get3A_23] : memref<128x128xf32, #tpu.memory_space<vmem>>, vector<128x128xf32>
    %dot_general3A = arith.constant dense<0.000000e+00> : vector<512x128xf32>
    %dot_general3A_25 = tpu.matmul %div3A, %get3A_24, %dot_general3A {dimension_numbers = #tpu.dot_dimension_numbers<[1], [0], [0], [1], [0, 0, 1, 1], [], []>, transpose_lhs_hint = false} : vector<512x128xf32>, vector<128x128xf32>, vector<512x128xf32> -> vector<512x128xf32>
    %get3A_26 = arith.constant 0 : index
    %get3A_27 = arith.constant 0 : index
    %get3A_28 = vector.load %arg4[%get3A_26, %get3A_27] : memref<1x128xf32, #tpu.memory_space<vmem>>, vector<1x128xf32>
    %add3A_29 = vector.broadcast %get3A_28 : vector<1x128xf32> to vector<512x128xf32>
    %add3A_30 = arith.addf %dot_general3A_25, %add3A_29 : vector<512x128xf32>
    %get3A_31 = arith.constant 0 : index
    %get3A_32 = arith.constant 0 : index
    %get3A_33 = vector.load %arg2[%get3A_31, %get3A_32] : memref<512x128xf32, #tpu.memory_space<vmem>>, vector<512x128xf32>
    %get3A_34 = arith.constant 0 : index
    %get3A_35 = arith.constant 0 : index
    %get3A_36 = vector.load %arg5[%get3A_34, %get3A_35] : memref<128x128xf32, #tpu.memory_space<vmem>>, vector<128x128xf32>
    %dot_general3A_37 = arith.constant dense<0.000000e+00> : vector<512x128xf32>
    %dot_general3A_38 = tpu.matmul %get3A_33, %get3A_36, %dot_general3A_37 {dimension_numbers = #tpu.dot_dimension_numbers<[1], [0], [0], [1], [0, 0, 1, 1], [], []>, transpose_lhs_hint = false} : vector<512x128xf32>, vector<128x128xf32>, vector<512x128xf32> -> vector<512x128xf32>
    %add3A_39 = arith.addf %add3A_30, %dot_general3A_38 : vector<512x128xf32>
    %reduce_max3A = arith.constant dense<0xFF800000> : vector<512xf32>
    %reduce_max3A_40 = vector.multi_reduction <maximumf>, %add3A_39, %reduce_max3A [1] : vector<512x128xf32> to vector<512xf32>
    %broadcast_in_dim3A = vector.shape_cast %reduce_max3A_40 : vector<512xf32> to vector<512x1xf32>
    %sub3A = vector.broadcast %broadcast_in_dim3A : vector<512x1xf32> to vector<512x128xf32>
    %sub3A_41 = arith.subf %add3A_39, %sub3A : vector<512x128xf32>
    %exp3A = math.exp %sub3A_41 : vector<512x128xf32>
    %reduce_sum3A = arith.constant dense<0.000000e+00> : vector<512xf32>
    %reduce_sum3A_42 = vector.multi_reduction <add>, %exp3A, %reduce_sum3A [1] : vector<512x128xf32> to vector<512xf32>
    %broadcast_in_dim3A_43 = vector.shape_cast %reduce_sum3A_42 : vector<512xf32> to vector<512x1xf32>
    %log3A = math.log %broadcast_in_dim3A_43 : vector<512x1xf32>
    %sub3A_44 = vector.broadcast %log3A : vector<512x1xf32> to vector<512x128xf32>
    %sub3A_45 = arith.subf %sub3A_41, %sub3A_44 : vector<512x128xf32>
    %swap3A = arith.constant 0 : index
    %swap3A_46 = arith.constant 0 : index
    %swap3A_47 = vector.load %arg6[%swap3A, %swap3A_46] : memref<512x128xf32, #tpu.memory_space<vmem>>, vector<512x128xf32>
    tpu.vector_store %arg6[%swap3A, %swap3A_46], %sub3A_45 {strides = array<i32>} : memref<512x128xf32, #tpu.memory_space<vmem>>, vector<512x128xf32>,
    return
  }
}

</mosaic_0001>

<sc_bundles>
// kernel: kernel.6.cloned.1.call-start
scs
__scs_entry_jumppad:
0x0: {  	(pc) =	sbr.rel $0x88, $3  }
0x1: {  	(tag) =	ssettag $0x0;
	lr =	simm.s32 $0x1  }
0x2: {  	[smem:$0x3F96] =	sst lr;
	_ =	strace $0xD0000000  }
0x3: {  	_ = 	snop  }
0x4: {  	_ = 	snop  }
0x5: {  	_ = 	snop  }
0x6: {  	_ = 	snop  }
0x7: {  	_ = 	snop  }
__scs_overlays_trampoline_lowered:
0x8: {  	[smem:$0x3FA5] =	sst s0  }
0x9: {  	[smem:$0x3FA6] =	sst s1  }
0xa: {  	[smem:$0x3FA7] =	sst s2  }
0xb: {  	[smem:$0x3FA8] =	sst s3  }
0xc: {  	[smem:$0x3FA9] =	sst s4  }
0xd: {  	[smem:$0x3FAA] =	sst s5  }
0xe: {  	[smem:$0x3FAB] =	sst s6  }
0xf: {  	[smem:$0x3FAC] =	sst s7  }
0x10: {  	[smem:$0x3FAD] =	sst s8  }
0x11: {  	[smem:$0x3FAE] =	sst s9;
	s0 =	simm.s32 @!p0 $0x0  }
0x12: {  	s1 =	sld [smem:$0x3F94];
	s0 =	simm.s32 @p0 $0x1  }
0x13: {  	[smem:$0x3FAF] =	sst s0;
	s0 =	simm.s32 @!p1 $0x0  }
0x14: {  	s2 =	sld [smem:$0x3F93];
	s0 =	simm.s32 @p1 $0x1  }
0x15: {  	[smem:$0x3FB0] =	sst s0;
	s0 =	simm.s32 @!p2 $0x0  }
0x16: {  	s3 =	sld [smem:$0x3FDB];
	s0 =	simm.s32 @p2 $0x1  }
0x17: {  	s4 =	simm.s32 $0x1BF5;
	[smem:$0x3FB2] =	sst s0  }
0x18: {  	s0 =	sld [smem:$0x3F95];
	_ =	swait.ge [sflag:s4], $0x0  }
0x19: {  	s7 =	sld [smem:$0x3F96]  }
0x1a: {  	s8 =	sadd.s32 $0xFFFFE003, lr  }
0x1b: {  	s9 =	sadd.s32 $0xFFFFFEF7, lr;
	s5 =	simm.s32 $0xFFFFFFFF;
	p2 =	slt.u32 s8, $0xFFFFF086  }
0x1c: {  	p1 =	slt.u32 s9, $0xF7A;
	s5 =	simm.s32 @!p2 $0x0  }
0x1d: {  	s5 =	simm.s32 @p1 $0x1;
	p0 =	seq.s32 s7, s2  }
0x1e: {  	s7 =	smul.u32 @!p0 $0xF7A, s2;
	p2 =	seq.s32 @!p0 s5, $0x0  }
0x1f: {  	s9 =	smul.u32 $0xF7A, s1;
	s8 =	simm.s32 @!p0 $0x1BF5;
	p2 =	por !p2, p0  }
0x20: {  	[sflag:s8] =	ssyncset.s32 @!p0 $0xFFFFF086;
	s6 =	sadd.s32 @!p0 s3, s7;
	s7 =	simm.s32 @!p0 $0x108  }
0x21: {  	s3 =	sadd.s32 s3, s9;
	s6 =	sadd.s32 @!p0 $0x88, s6;
	s7 =	simm.s32 @p2 $0x1082  }
0x22: {  	[simem:s7], [sflag:s8] =	dma.local @!p0 [hbm:s6], $0xF7A  }
0x23: {  	s9 =	sor.u32 $0xD0000000, s2;
	s6 =	simm.s32 $0x108;
	_ =	swait.ge @!p0 [sflag:s8], $0x0  }
0x24: {  	s3 =	sadd.s32 $0x88, s3;
	s6 =	simm.s32 @!p1 $0x1082;
	[sflag:s4] =	ssyncset.s32 $0xFFFFF086  }
0x25: {  	[simem:s6], [sflag:s4] =	dma.local [hbm:s3], $0xF7A  }
0x26: {  	[smem:$0x3F96] =	sst s1;
	(tag) =	ssettag s2;
	_ =	strace s9  }
0x27: {  	s1 =	sld [smem:$0x3FA6]  }
0x28: {  	s2 =	sld [smem:$0x3FA7]  }
0x29: {  	s4 =	sld [smem:$0x3FA9]  }
0x2a: {  	p0 =	seq.s32 s5, $0x0;
	s5 =	sld [smem:$0x3FAA]  }
0x2b: {  	s6 =	sld [smem:$0x3FAB]  }
0x2c: {  	s7 =	sld [smem:$0x3FAC]  }
0x2d: {  	s3 =	simm.s32 $0x108;
	s8 =	sld [smem:$0x3FAD]  }
0x2e: {  	s3 =	simm.s32 @!p0 $0x1082;
	s9 =	sld [smem:$0x3FAE]  }
0x2f: {  	lr =	sadd.s32 s0, s3;
	s0 =	sld [smem:$0x3FA5]  }
0x30: {  	s3 =	sld [smem:$0x3FA8]  }
0x31: {  	[smem:$0x3FB1] =	sst s10  }
0x32: {  	s10 =	sld [smem:$0x3FAF];
	_ =	sdelay $0x3  }
0x33: {  	p0 =	seq.s32 s10, $0x1;
	s10 =	sld [smem:$0x3FB1];
	_ =	sdelay $0x3  }
0x34: {  	[smem:$0x3FB1] =	sst s10  }
0x35: {  	s10 =	sld [smem:$0x3FB0];
	_ =	sdelay $0x3  }
0x36: {  	p1 =	seq.s32 s10, $0x1;
	s10 =	sld [smem:$0x3FB1];
	_ =	sdelay $0x3  }
0x37: {  	[smem:$0x3FB1] =	sst s10  }
0x38: {  	s10 =	sld [smem:$0x3FB2]  }
0x39: {  	_ = 	snop;
	(pc) =	sbr.ind lr, $3  }
0x3a: {  	_ = 	snop  }
0x3b: {  	_ = 	snop  }
0x3c: {  	p2 =	seq.s32 s10, $0x1;
	s10 =	sld [smem:$0x3FB1]  }
0x3d: {  	_ =	shalt  }
0x3e: {  	_ =	shalt  }
0x3f: {  	_ =	shalt  }
0x40: {  	_ =	shalt  }
0x41: {  	_ =	shalt  }
0x42: {  	_ =	shalt  }
0x43: {  	_ =	shalt  }
0x44: {  	_ =	shalt  }
0x45: {  	_ =	shalt  }
0x46: {  	_ =	shalt  }
0x47: {  	_ =	shalt  }
0x48: {  	_ =	shalt  }
0x49: {  	_ =	shalt  }
0x4a: {  	_ =	shalt  }
0x4b: {  	_ =	shalt  }
0x4c: {  	_ =	shalt  }
0x4d: {  	_ =	shalt  }
0x4e: {  	_ =	shalt  }
0x4f: {  	_ =	shalt  }
0x50: {  	_ =	shalt  }
0x51: {  	_ =	shalt  }
0x52: {  	_ =	shalt  }
0x53: {  	_ =	shalt  }
0x54: {  	_ =	shalt  }
0x55: {  	_ =	shalt  }
0x56: {  	_ =	shalt  }
0x57: {  	_ =	shalt  }
0x58: {  	_ =	shalt  }
0x59: {  	_ =	shalt  }
0x5a: {  	_ =	shalt  }
0x5b: {  	_ =	shalt  }
0x5c: {  	_ =	shalt  }
0x5d: {  	_ =	shalt  }
0x5e: {  	_ =	shalt  }
0x5f: {  	_ =	shalt  }
0x60: {  	_ =	shalt  }
0x61: {  	_ =	shalt  }
0x62: {  	_ =	shalt  }
0x63: {  	_ =	shalt  }
0x64: {  	_ =	shalt  }
0x65: {  	_ =	shalt  }
0x66: {  	_ =	shalt  }
0x67: {  	_ =	shalt  }
0x68: {  	_ =	shalt  }
0x69: {  	_ =	shalt  }
0x6a: {  	_ =	shalt  }
0x6b: {  	_ =	shalt  }
0x6c: {  	_ =	shalt  }
0x6d: {  	_ =	shalt  }
0x6e: {  	_ =	shalt  }
0x6f: {  	_ =	shalt  }
0x70: {  	_ =	shalt  }
0x71: {  	_ =	shalt  }
0x72: {  	_ =	shalt  }
0x73: {  	_ =	shalt  }
0x74: {  	_ =	shalt  }
0x75: {  	_ =	shalt  }
0x76: {  	_ =	shalt  }
0x77: {  	_ =	shalt  }
0x78: {  	_ =	shalt  }
0x79: {  	_ =	shalt  }
0x7a: {  	_ =	shalt  }
0x7b: {  	_ =	shalt  }
0x7c: {  	_ =	shalt  }
0x7d: {  	_ =	shalt  }
0x7e: {  	_ =	shalt  }
0x7f: {  	_ =	shalt  }
0x80: {  	_ =	shalt  }
0x81: {  	_ =	shalt  }
0x82: {  	_ =	shalt  }
0x83: {  	_ =	shalt  }
0x84: {  	_ =	shalt  }
0x85: {  	_ =	shalt  }
0x86: {  	_ =	shalt  }
0x87: {  	_ =	shalt  }
.Lfunc_end0:
.L_simem_size_0:
called_computation_lowered:
.L_overlay_start_0:
0x88: {  	s2 =	sld [smem:$0x3FD9]  }
0x89: {  	s3 =	sld [smem:$0x3FFE];
	_ =	sdelay $0x1  }
0x8a: {  	s1 =	srdreg.scid  }
0x8b: {  	s0 =	sand.u32 $0x1, s1  }
0x8c: {  	s17 =	sshll.u32 s0, $0xA;
	s2 =	sadd.s32 s3, s2  }
0x8d: {  	s2 =	sadd.s32 s2, s17  }
0x8e: {  	[smem:$0x3FBD] =	sst s2  }
0x8f: {  	_ = 	snop  }
0x90: {  	s2 =	sld [smem:$0x3FC9]  }
0x91: {  	s18 =	sld [smem:$0x3FD0];
	(tm) =	ssettm $0x1  }
0x92: {  	s4 =	sld [smem:$0x3FFB];
	_ =	sdelay $0x3  }
0x93: {  	_ =	strace s4  }
0x94: {  	s4 =	sld [smem:$0x3FFC];
	_ =	sdelay $0x3  }
0x95: {  	_ =	strace s4  }
0x96: {  	s4 =	sld [smem:$0x3FFD];
	_ =	sdelay $0x3  }
0x97: {  	_ =	strace s4  }
0x98: {  	_ =	strace $0x8FFFFFFF  }
0x99: {  	s19 =	sld [smem:$0x3FDB];
	_ =	sdelay $0x1  }
0x9a: {  	s5 =	simm.s32 $_scs_section_size  }
0x9b: {  	s6 =	simm.s32 $_size__tile_overlayer_lowered;
	s7 =	simm.s32 $_tile_overlayer_lowered  }
0x9c: {  	s22 =	simm.s32 $0x1BFF;
	s21 =	sshll.u32 s7, $0x1;
	s4 =	sadd.s32 s5, s19  }
0x9d: {  	s8 =	simm.s32 $0x0;
	s20 =	sshll.u32 s6, $0x1;
	s6 =	sadd.s32 s21, s4  }
0x9e: {  	[timem:s8], [sflag:s22] =	dma.local [hbm:s6], s20  }
0x9f: {  	_ =	swait.ge [sflag:s22], s20  }
0xa0: {  	s5 =	ssub.s32 $0x0, s20;
	[sflag:s22] =	ssyncset.done $0x0  }
0xa1: {  	[sflag:s22] =	ssyncadd.s32 s5;
	_ =	sdelay $0x1  }
0xa2: {  	s23 =	simm.s32 $0x1B8B  }
0xa3: {  	_ =	swait.ge [sflag:s23], $0x1  }
0xa4: {  	[sflag:s23] =	ssyncset.done $0x0  }
0xa5: {  	s25 =	simm.s32 $0x1B8E;
	s24 =	sld [smem:$0x3FFE];
	[sflag:s23] =	ssyncadd.s32 $0xFFFFFFFF  }
0xa6: {  	s26 =	simm.s32 $execute0_lowered;
	[smem:$0x3FD2] =	sst s25  }
0xa7: {  	s6 =	sshll.u32 s26, $0x1;
	_ =	strace $0x80000046;
	[dreg:$0x1] =	wrdreg $0xFFFFFFFF  }
0xa8: {  	s28 =	simm.s32 $_size_execute0_lowered;
	s4 =	sadd.s32 s4, s6;
	[dreg:$0x0] =	wrdreg $0x0  }
0xa9: {  	s6 =	sshll.u32 s28, $0x1;
	[dreg:$0x2] =	wrdreg s4  }
0xaa: {  	[dreg:$0x3] =	wrdreg s6  }
0xab: {  	[dreg:$0x4] =	wrdreg $0xC0  }
0xac: {  	_ =	task [dreg:s8], $0x5FFFF  }
0xad: {  	[dreg:$0x1] =	wrdreg $0xFFFFFFFF  }
0xae: {  	[dreg:$0x0] =	wrdreg $0x60  }
0xaf: {  	[dreg:$0x2] =	wrdreg s2  }
0xb0: {  	[dreg:$0x3] =	wrdreg s24  }
0xb1: {  	[dreg:$0x4] =	wrdreg s18  }
0xb2: {  	[dreg:$0x5] =	wrdreg $0xD0000  }
0xb3: {  	[dreg:$0x6] =	wrdreg $0x110000  }
0xb4: {  	[dreg:$0x7] =	wrdreg $0x9  }
0xb5: {  	_ =	task.clear_ibuf [dreg:s8], $0x8FFFF;
	_ =	strace $0x90000046  }
0xb6: {  	s29 =	simm.s32 $0x9;
	_ =	strace $0x80000048  }
0xb7: {  	_ =	swait.ge [sflag:s29], $0x1  }
0xb8: {  	[sflag:s29] =	ssyncadd.s32 $0xFFFFFFFF  }
0xb9: {  	_ =	strace $0x90000048  }
0xba: {  	_ =	sfence  }
0xbb: {  	s30 =	sld [smem:$0x0];
	_ =	sdelay $0x2  }
0xbc: {  	s31 =	sshll.u32 s1, $0xD;
	s1 =	sshrl.u32 s1, $0x2  }
0xbd: {  	s3 =	sand.u32 $0x4000, s31;
	s1 =	sadd.s32 s1, s30  }
0xbe: {  	s0 =	sor.u32 s3, s0;
	s1 =	sshll.u32 s1, $0x11  }
0xbf: {  	s0 =	sor.u32 s1, s0  }
0xc0: {  	s0 =	sadd.s32 $0x8F2B, s0  }
0xc1: {  	[sflag:s0] =	ssyncadd.remote.s32 $0x1  }
0xc2: {  	_ =	sfence.sel $0xFFFF  }
0xc3: {  	[dreg:$0x0] =	wrdreg $0xFFFFFFFF;
	(pc) =	sbr.abs _section_cstart, $3  }
0xc4: {  	[dreg:$0x1] =	wrdreg $0xFFFFFFFF  }
0xc5: {  	_ =	task.clear_ibuf [dreg:s8], $0x2FFFF;
	_ =	strace $0x9FFFFFFF  }
0xc6: {  	(tm) =	ssettm $0x7FFFFFFF  }
0xc7: {  	_ =	shalt  }
tec
execute0_lowered:
.L_overlay_start_1:
0x0: {  	(tag) =	ssettag $0x1  }
0x1: {  	s0 =	rddreg [dreg:$0x0]  }
0x2: {  	s7 =	rddreg [dreg:$0x1]  }
0x3: {  	s1 =	rddreg [dreg:$0x2]  }
0x4: {  	s2 =	srdreg.scid;
	s3 =	rddreg [dreg:$0x3]  }
0x5: {  	s21 =	stileid.u32;
	s4 =	rddreg [dreg:$0x4];
	s5 =	simm.s32 $0x0  }
0x6: {  	s16 =	simm.s32 $0x2800;
	s17 =	simm.s32 $0x9000;
	s18 =	simm.s32 $0x80  }
0x7: {  	s19 =	simm.s32 $0x5000;
	s20 =	simm.s32 $0x1;
	s23 =	simm.s32 $0x0  }
0x8: {  	s8 =	sand.u32 $0x1, s2;
	s29 =	sshll.u32 s21, $0x1;
	s2 =	rddreg [dreg:$0x5]  }
0x9: {  	[smem:$0x7FF] =	sst s5;
	s31 =	sshll.u32 s21, $0xE;
	s12 =	sshll.u32 s21, $0x6  }
0xa: {  	p0 =	sne.s32 s21, $0x0;
	s6 =	sor.u32 s8, s29;
	_ =	strace $0x80000047  }
0xb: {  	s10 =	sshll.u32 s8, $0xF;
	s30 =	ssub.s32 $0x2, s8;
	s14 =	sadd.s32 s31, s3  }
0xc: {  	s15 =	sadd.s32 s31, s4;
	s21 =	sshrl.u32 @!p0 s3, $0x3;
	s22 =	sshrl.u32 @!p0 s4, $0x3  }
0xd: {  	s6 =	smul.u32 $0x500, s6;
	s11 =	sadd.s32 s10, s7;
	s8 =	sshrl.u32 s30, $0x1  }
0xe: {  	s15 =	sshrl.u32 s15, $0x3;
	s13 =	ssub.s32 s30, s8;
	s10 =	sadd.s32 $0x17400, s11  }
0xf: {  	s11 =	sadd.s32 $0x27400, s11;
	s9 =	sadd.s32 s6, s7;
	s6 =	sadd.s32 $0x16C00, s7  }
0x10: {  	s7 =	sor.u32 $0x1C02, s12;
	s12 =	smax.u32 s13, $0x1;
	s13 =	sshrl.u32 s14, $0x3  }
0x11: {  	s14 =	simm.s32 $0x2;
	s8 =	sadd.s32 $0x2C00, s9;
	s9 =	sadd.s32 $0xCC00, s9  }
.LBB2_1:
0x12: {  	[spmem:s13], [sflag:s7] =	dma.local [hbm:s6], $0x800  }
0x13: {  	_ =	swait.ge [sflag:s14], $0x800  }
0x14: {  	[sflag:s14] =	ssyncset.done $0x0  }
0x15: {  	[sflag:s14] =	ssyncadd.s32 $0xFFFFF800  }
0x16: {  	[spmem:s15], [sflag:s7] =	dma.local [hbm:s6], $0x800  }
0x17: {  	_ =	swait.ge [sflag:s14], $0x800  }
0x18: {  	[sflag:s14] =	ssyncset.done $0x0  }
0x19: {  	[sflag:s14] =	ssyncadd.s32 $0xFFFFF800  }
0x1a: {  	[tilespmem:s5], [sflag:$0x2] =	stream.linear.gather [hbm4b:s8+s5], $0x2780, $0x38;
	[tilespmem:$0x15000] =	vst v63  }
0x1b: {  	_ =	swait.ge [sflag:s14], $0x2780  }
0x1c: {  	[sflag:s14] =	ssyncset.done $0x0  }
0x1d: {  	[sflag:s14] =	ssyncadd.s32 $0xFFFFD880  }
0x1e: {  	[tilespmem:s16], [sflag:$0x2] =	stream.linear.gather [hbm4b:s9+s5], $0x2780, $0x38;
	[tilespmem:$0x15000] =	vst v63  }
0x1f: {  	_ =	swait.ge [sflag:s14], $0x2780  }
0x20: {  	[sflag:s14] =	ssyncset.done $0x0  }
0x21: {  	[sflag:s14] =	ssyncadd.s32 $0xFFFFD880  }
0x22: {  	[tilespmem:s17], [sflag:$0x2] =	stream.linear.gather [hbm4b:s1+s5], $0x4000, $0x38;
	[tilespmem:$0x15000] =	vst v63  }
0x23: {  	_ =	swait.ge [sflag:s14], $0x4000  }
0x24: {  	[sflag:s14] =	ssyncset.done $0x0  }
0x25: {  	[sflag:s14] =	ssyncadd.s32 $0xFFFFC000  }
0x26: {  	s24 =	simm.s32 $0x0;
	[bflag:$0x0] =	sbarrier.arrive $0xFFFF  }
0x27: {  	[tilespmem:s19], [sflag:$0x1] =	stream.indirect.gather [hbm4b:s0+s18], $0x80, s24, s18, $0xb8;
	[tilespmem:$0x15000] =	vst v63  }
0x28: {  	_ =	swait.ge [sflag:s20], $0x4000  }
0x29: {  	[sflag:s20] =	ssyncset.done $0x0  }
0x2a: {  	s31 =	simm.s32 $0x2800;
	[sflag:s20] =	ssyncadd.s32 $0xFFFFC000  }
0x2b: {  	[spmem:s3] =	stream.indirect.scatter.add.f32 [tilespmem:s19], [sflag:$0x2], $0x80, s31, s18, $0xb8;
	[tilespmem:$0x15000] =	vst v63  }
0x2c: {  	_ =	swait.ge [sflag:s14], $0x4000  }
0x2d: {  	[sflag:s14] =	ssyncset.done $0x0  }
0x2e: {  	[sflag:s14] =	ssyncadd.s32 $0xFFFFC000  }
0x2f: {  	[spmem:s4] =	stream.indirect.scatter.add.f32 [tilespmem:s17], [sflag:$0x2], $0x80, s31, s18, $0xb8;
	[tilespmem:$0x15000] =	vst v63  }
0x30: {  	_ =	swait.ge [sflag:s14], $0x4000  }
0x31: {  	s25 =	simm.s32 $0x400;
	s24 =	simm.s32 $0x200;
	[sflag:s14] =	ssyncset.done $0x0  }
.LBB2_2:
0x32: {  	s26 =	sshra.s32 s24, $0x2  }
0x33: {  	[sflag:s14] =	ssyncadd.s32 $0xFFFFC000;
	s24 =	smov.u32 s25;
	s28 =	sadd.s32 $0x200, s25  }
0x34: {  	[tilespmem:s19], [sflag:$0x1] =	stream.indirect.gather [hbm4b:s0+s18], $0x80, s26, s18, $0xb8;
	[tilespmem:$0x15000] =	vst v63  }
0x35: {  	p1 =	sne.s32 s25, $0x9C00;
	_ =	swait.ge [sflag:s20], $0x4000  }
0x36: {  	[sflag:s20] =	ssyncset.done $0x0  }
0x37: {  	s25 =	sadd.s32 $0x2800, s26;
	[sflag:s20] =	ssyncadd.s32 $0xFFFFC000  }
0x38: {  	[spmem:s3] =	stream.indirect.scatter.add.f32 [tilespmem:s19], [sflag:$0x2], $0x80, s25, s18, $0xb8;
	[tilespmem:$0x15000] =	vst v63  }
0x39: {  	_ =	swait.ge [sflag:s14], $0x4000  }
.Ltmp0:
0x3a: {  	[sflag:s14] =	ssyncset.done $0x0;
	(pc) =	sbr.rel @p1 .LBB2_2-.Ltmp0, $4  }
0x3b: {  	[sflag:s14] =	ssyncadd.s32 $0xFFFFC000  }
0x3c: {  	[spmem:s4] =	stream.indirect.scatter.add.f32 [tilespmem:s17], [sflag:$0x2], $0x80, s25, s18, $0xb8;
	[tilespmem:$0x15000] =	vst v63  }
0x3d: {  	_ =	swait.ge [sflag:s14], $0x4000  }
0x3e: {  	s25 =	smov.u32 s28;
	[sflag:s14] =	ssyncset.done $0x0  }
0x3f: {  	s24 =	sshra.s32 s24, $0x2;
	[sflag:s14] =	ssyncadd.s32 $0xFFFFC000  }
0x40: {  	[tilespmem:s19], [sflag:$0x1] =	stream.indirect.gather [hbm4b:s0+s18], $0x80, s24, s18, $0xb8;
	[tilespmem:$0x15000] =	vst v63  }
0x41: {  	_ =	swait.ge [sflag:s20], $0x4000  }
0x42: {  	[sflag:s20] =	ssyncset.done $0x0  }
0x43: {  	s24 =	sadd.s32 $0x2800, s24;
	[sflag:s20] =	ssyncadd.s32 $0xFFFFC000  }
0x44: {  	[spmem:s3] =	stream.indirect.scatter.add.f32 [tilespmem:s19], [sflag:$0x2], $0x80, s24, s18, $0xb8;
	[tilespmem:$0x15000] =	vst v63  }
0x45: {  	_ =	swait.ge [sflag:s14], $0x4000  }
0x46: {  	[sflag:s14] =	ssyncset.done $0x0  }
0x47: {  	[sflag:s14] =	ssyncadd.s32 $0xFFFFC000  }
0x48: {  	[spmem:s4] =	stream.indirect.scatter.add.f32 [tilespmem:s17], [sflag:$0x2], $0x80, s24, s18, $0xb8;
	[tilespmem:$0x15000] =	vst v63  }
0x49: {  	_ =	swait.ge [sflag:s14], $0x4000  }
0x4a: {  	[sflag:s14] =	ssyncset.done $0x0  }
0x4b: {  	[sflag:s14] =	ssyncadd.s32 $0xFFFFC000  }
0x4c: {  	s24 =	simm.s32 @!p0 $0x2;
	[bflag:$0x0] =	sbarrier.arrive $0xFFFF  }
0x4d: {  	[hbm:s10], [sflag:s7] =	dma.local @!p0 [spmem:s21], $0x8000  }
0x4e: {  	s23 =	sadd.s32 $0x1, s23;
	_ =	swait.ge @!p0 [sflag:s24], $0x8000  }
0x4f: {  	p1 =	sne.s32 s23, s12;
	[sflag:s24] =	ssyncset.done @!p0 $0x0  }
.Ltmp1:
0x50: {  	[sflag:s24] =	ssyncadd.s32 @!p0 $0xFFFF8000;
	(pc) =	sbr.rel @p1 .LBB2_1-.Ltmp1, $4  }
0x51: {  	[hbm:s11], [sflag:s7] =	dma.local @!p0 [spmem:s22], $0x8000  }
0x52: {  	_ =	swait.ge @!p0 [sflag:s24], $0x8000  }
0x53: {  	[sflag:s24] =	ssyncset.done @!p0 $0x0  }
0x54: {  	[sflag:s24] =	ssyncadd.s32 @!p0 $0xFFFF8000  }
0x55: {  	_ =	sfence.sel $0x180000  }
0x56: {  	[bflag:$0x0] =	sbarrier.arrive $0xFFFF  }
0x57: {  	_ =	strace $0x90000047  }
0x58: {  	s0 =	sadd.s32 @!p0 $0x100000, s2;
	[bflag:$0x2] =	sbarrier.arrive $0xFFFF  }
0x59: {  	[sflag:s0] =	ssyncadd.tile.s32 @!p0 $0x1;
	_ =	shalt  }
.Lfunc_end2:
_tile_overlayer_lowered:
.L_overlay_start_2:
0x5a: {  	(tag) =	ssettag $0x2  }
0x5b: {  	s0 =	rddreg [dreg:$0x0];
	s2 =	stileid.u32  }
0x5c: {  	s1 =	rddreg [dreg:$0x1];
	p0 =	sne.s32 s2, $0x0  }
0x5d: {  	s3 =	rddreg [dreg:$0x2];
	[bflag:$0x3] =	sbarrier.arrive $0xFFFF;
	s2 =	simm.s32 @!p0 $0x1C02  }
0x5e: {  	[timem:s3], [sflag:s2] =	dma.local @!p0 [hbm:s0], s1  }
0x5f: {  	s0 =	simm.s32 @!p0 $0x2  }
0x60: {  	_ =	swait.ge @!p0 [sflag:s0], s1  }
0x61: {  	s1 =	ssub.s32 @!p0 $0x0, s1;
	[sflag:s0] =	ssyncset.done @!p0 $0x0  }
0x62: {  	[sflag:s0] =	ssyncadd.s32 @!p0 s1  }
0x63: {  	[bflag:$0x3] =	sbarrier.arrive $0xFFFF  }
0x64: {  	_ =	shalt  }

// kernel: kernel.9.cloned.1.call-start
scs
__scs_entry_jumppad:
0x0: {  	(pc) =	sbr.rel $0x88, $3  }
0x1: {  	(tag) =	ssettag $0x0;
	lr =	simm.s32 $0x1  }
0x2: {  	[smem:$0x3F96] =	sst lr;
	_ =	strace $0xD0000000  }
0x3: {  	_ = 	snop  }
0x4: {  	_ = 	snop  }
0x5: {  	_ = 	snop  }
0x6: {  	_ = 	snop  }
0x7: {  	_ = 	snop  }
__scs_overlays_trampoline_lowered:
0x8: {  	[smem:$0x3FA5] =	sst s0  }
0x9: {  	[smem:$0x3FA6] =	sst s1  }
0xa: {  	[smem:$0x3FA7] =	sst s2  }
0xb: {  	[smem:$0x3FA8] =	sst s3  }
0xc: {  	[smem:$0x3FA9] =	sst s4  }
0xd: {  	[smem:$0x3FAA] =	sst s5  }
0xe: {  	[smem:$0x3FAB] =	sst s6  }
0xf: {  	[smem:$0x3FAC] =	sst s7  }
0x10: {  	[smem:$0x3FAD] =	sst s8  }
0x11: {  	[smem:$0x3FAE] =	sst s9;
	s0 =	simm.s32 @!p0 $0x0  }
0x12: {  	s1 =	sld [smem:$0x3F94];
	s0 =	simm.s32 @p0 $0x1  }
0x13: {  	[smem:$0x3FAF] =	sst s0;
	s0 =	simm.s32 @!p1 $0x0  }
0x14: {  	s2 =	sld [smem:$0x3F93];
	s0 =	simm.s32 @p1 $0x1  }
0x15: {  	[smem:$0x3FB0] =	sst s0;
	s0 =	simm.s32 @!p2 $0x0  }
0x16: {  	s3 =	sld [smem:$0x3FDB];
	s0 =	simm.s32 @p2 $0x1  }
0x17: {  	s4 =	simm.s32 $0x1BF5;
	[smem:$0x3FB2] =	sst s0  }
0x18: {  	s0 =	sld [smem:$0x3F95];
	_ =	swait.ge [sflag:s4], $0x0  }
0x19: {  	s7 =	sld [smem:$0x3F96]  }
0x1a: {  	s8 =	sadd.s32 $0xFFFFE003, lr  }
0x1b: {  	s9 =	sadd.s32 $0xFFFFFEF7, lr;
	s5 =	simm.s32 $0xFFFFFFFF;
	p2 =	slt.u32 s8, $0xFFFFF086  }
0x1c: {  	p1 =	slt.u32 s9, $0xF7A;
	s5 =	simm.s32 @!p2 $0x0  }
0x1d: {  	s5 =	simm.s32 @p1 $0x1;
	p0 =	seq.s32 s7, s2  }
0x1e: {  	s7 =	smul.u32 @!p0 $0xF7A, s2;
	p2 =	seq.s32 @!p0 s5, $0x0  }
0x1f: {  	s9 =	smul.u32 $0xF7A, s1;
	s8 =	simm.s32 @!p0 $0x1BF5;
	p2 =	por !p2, p0  }
0x20: {  	[sflag:s8] =	ssyncset.s32 @!p0 $0xFFFFF086;
	s6 =	sadd.s32 @!p0 s3, s7;
	s7 =	simm.s32 @!p0 $0x108  }
0x21: {  	s3 =	sadd.s32 s3, s9;
	s6 =	sadd.s32 @!p0 $0x88, s6;
	s7 =	simm.s32 @p2 $0x1082  }
0x22: {  	[simem:s7], [sflag:s8] =	dma.local @!p0 [hbm:s6], $0xF7A  }
0x23: {  	s9 =	sor.u32 $0xD0000000, s2;
	s6 =	simm.s32 $0x108;
	_ =	swait.ge @!p0 [sflag:s8], $0x0  }
0x24: {  	s3 =	sadd.s32 $0x88, s3;
	s6 =	simm.s32 @!p1 $0x1082;
	[sflag:s4] =	ssyncset.s32 $0xFFFFF086  }
0x25: {  	[simem:s6], [sflag:s4] =	dma.local [hbm:s3], $0xF7A  }
0x26: {  	[smem:$0x3F96] =	sst s1;
	(tag) =	ssettag s2;
	_ =	strace s9  }
0x27: {  	s1 =	sld [smem:$0x3FA6]  }
0x28: {  	s2 =	sld [smem:$0x3FA7]  }
0x29: {  	s4 =	sld [smem:$0x3FA9]  }
0x2a: {  	p0 =	seq.s32 s5, $0x0;
	s5 =	sld [smem:$0x3FAA]  }
0x2b: {  	s6 =	sld [smem:$0x3FAB]  }
0x2c: {  	s7 =	sld [smem:$0x3FAC]  }
0x2d: {  	s3 =	simm.s32 $0x108;
	s8 =	sld [smem:$0x3FAD]  }
0x2e: {  	s3 =	simm.s32 @!p0 $0x1082;
	s9 =	sld [smem:$0x3FAE]  }
0x2f: {  	lr =	sadd.s32 s0, s3;
	s0 =	sld [smem:$0x3FA5]  }
0x30: {  	s3 =	sld [smem:$0x3FA8]  }
0x31: {  	[smem:$0x3FB1] =	sst s10  }
0x32: {  	s10 =	sld [smem:$0x3FAF];
	_ =	sdelay $0x3  }
0x33: {  	p0 =	seq.s32 s10, $0x1;
	s10 =	sld [smem:$0x3FB1];
	_ =	sdelay $0x3  }
0x34: {  	[smem:$0x3FB1] =	sst s10  }
0x35: {  	s10 =	sld [smem:$0x3FB0];
	_ =	sdelay $0x3  }
0x36: {  	p1 =	seq.s32 s10, $0x1;
	s10 =	sld [smem:$0x3FB1];
	_ =	sdelay $0x3  }
0x37: {  	[smem:$0x3FB1] =	sst s10  }
0x38: {  	s10 =	sld [smem:$0x3FB2]  }
0x39: {  	_ = 	snop;
	(pc) =	sbr.ind lr, $3  }
0x3a: {  	_ = 	snop  }
0x3b: {  	_ = 	snop  }
0x3c: {  	p2 =	seq.s32 s10, $0x1;
	s10 =	sld [smem:$0x3FB1]  }
0x3d: {  	_ =	shalt  }
0x3e: {  	_ =	shalt  }
0x3f: {  	_ =	shalt  }
0x40: {  	_ =	shalt  }
0x41: {  	_ =	shalt  }
0x42: {  	_ =	shalt  }
0x43: {  	_ =	shalt  }
0x44: {  	_ =	shalt  }
0x45: {  	_ =	shalt  }
0x46: {  	_ =	shalt  }
0x47: {  	_ =	shalt  }
0x48: {  	_ =	shalt  }
0x49: {  	_ =	shalt  }
0x4a: {  	_ =	shalt  }
0x4b: {  	_ =	shalt  }
0x4c: {  	_ =	shalt  }
0x4d: {  	_ =	shalt  }
0x4e: {  	_ =	shalt  }
0x4f: {  	_ =	shalt  }
0x50: {  	_ =	shalt  }
0x51: {  	_ =	shalt  }
0x52: {  	_ =	shalt  }
0x53: {  	_ =	shalt  }
0x54: {  	_ =	shalt  }
0x55: {  	_ =	shalt  }
0x56: {  	_ =	shalt  }
0x57: {  	_ =	shalt  }
0x58: {  	_ =	shalt  }
0x59: {  	_ =	shalt  }
0x5a: {  	_ =	shalt  }
0x5b: {  	_ =	shalt  }
0x5c: {  	_ =	shalt  }
0x5d: {  	_ =	shalt  }
0x5e: {  	_ =	shalt  }
0x5f: {  	_ =	shalt  }
0x60: {  	_ =	shalt  }
0x61: {  	_ =	shalt  }
0x62: {  	_ =	shalt  }
0x63: {  	_ =	shalt  }
0x64: {  	_ =	shalt  }
0x65: {  	_ =	shalt  }
0x66: {  	_ =	shalt  }
0x67: {  	_ =	shalt  }
0x68: {  	_ =	shalt  }
0x69: {  	_ =	shalt  }
0x6a: {  	_ =	shalt  }
0x6b: {  	_ =	shalt  }
0x6c: {  	_ =	shalt  }
0x6d: {  	_ =	shalt  }
0x6e: {  	_ =	shalt  }
0x6f: {  	_ =	shalt  }
0x70: {  	_ =	shalt  }
0x71: {  	_ =	shalt  }
0x72: {  	_ =	shalt  }
0x73: {  	_ =	shalt  }
0x74: {  	_ =	shalt  }
0x75: {  	_ =	shalt  }
0x76: {  	_ =	shalt  }
0x77: {  	_ =	shalt  }
0x78: {  	_ =	shalt  }
0x79: {  	_ =	shalt  }
0x7a: {  	_ =	shalt  }
0x7b: {  	_ =	shalt  }
0x7c: {  	_ =	shalt  }
0x7d: {  	_ =	shalt  }
0x7e: {  	_ =	shalt  }
0x7f: {  	_ =	shalt  }
0x80: {  	_ =	shalt  }
0x81: {  	_ =	shalt  }
0x82: {  	_ =	shalt  }
0x83: {  	_ =	shalt  }
0x84: {  	_ =	shalt  }
0x85: {  	_ =	shalt  }
0x86: {  	_ =	shalt  }
0x87: {  	_ =	shalt  }
.Lfunc_end0:
.L_simem_size_0:
called_computation.1_lowered:
.L_overlay_start_0:
0x88: {  	s2 =	sld [smem:$0x3FD9]  }
0x89: {  	s3 =	sld [smem:$0x3FFE];
	_ =	sdelay $0x1  }
0x8a: {  	s1 =	srdreg.scid  }
0x8b: {  	s0 =	sand.u32 $0x1, s1  }
0x8c: {  	s17 =	sshll.u32 s0, $0xA;
	s2 =	sadd.s32 s3, s2  }
0x8d: {  	s2 =	sadd.s32 s2, s17  }
0x8e: {  	[smem:$0x3FBD] =	sst s2  }
0x8f: {  	_ = 	snop  }
0x90: {  	s2 =	sld [smem:$0x3FD0];
	(tm) =	ssettm $0x1  }
0x91: {  	s18 =	sld [smem:$0x3FFB];
	_ =	sdelay $0x3  }
0x92: {  	_ =	strace s18  }
0x93: {  	s3 =	sld [smem:$0x3FFC];
	_ =	sdelay $0x3  }
0x94: {  	_ =	strace s3  }
0x95: {  	s3 =	sld [smem:$0x3FFD];
	_ =	sdelay $0x3  }
0x96: {  	_ =	strace s3  }
0x97: {  	_ =	strace $0x8FFFFFFF  }
0x98: {  	s19 =	sld [smem:$0x3FDB];
	_ =	sdelay $0x1  }
0x99: {  	s4 =	simm.s32 $_scs_section_size  }
0x9a: {  	s5 =	simm.s32 $_size__tile_overlayer_lowered;
	s6 =	simm.s32 $_tile_overlayer_lowered  }
0x9b: {  	s22 =	simm.s32 $0x1BFF;
	s21 =	sshll.u32 s6, $0x1;
	s3 =	sadd.s32 s4, s19  }
0x9c: {  	s7 =	simm.s32 $0x0;
	s20 =	sshll.u32 s5, $0x1;
	s5 =	sadd.s32 s21, s3  }
0x9d: {  	[timem:s7], [sflag:s22] =	dma.local [hbm:s5], s20  }
0x9e: {  	_ =	swait.ge [sflag:s22], s20  }
0x9f: {  	s4 =	ssub.s32 $0x0, s20;
	[sflag:s22] =	ssyncset.done $0x0  }
0xa0: {  	[sflag:s22] =	ssyncadd.s32 s4;
	_ =	sdelay $0x1  }
0xa1: {  	s23 =	simm.s32 $0x1B8B  }
0xa2: {  	_ =	swait.ge [sflag:s23], $0x1  }
0xa3: {  	[sflag:s23] =	ssyncset.done $0x0  }
0xa4: {  	s25 =	simm.s32 $0x1B8E;
	s24 =	sld [smem:$0x3FFE];
	[sflag:s23] =	ssyncadd.s32 $0xFFFFFFFF  }
0xa5: {  	s26 =	simm.s32 $execute0_lowered;
	[smem:$0x3FD2] =	sst s25  }
0xa6: {  	s5 =	sshll.u32 s26, $0x1;
	_ =	strace $0x80000049;
	[dreg:$0x1] =	wrdreg $0xFFFFFFFF  }
0xa7: {  	s28 =	simm.s32 $_size_execute0_lowered;
	s3 =	sadd.s32 s3, s5;
	[dreg:$0x0] =	wrdreg $0x0  }
0xa8: {  	s5 =	sshll.u32 s28, $0x1;
	[dreg:$0x2] =	wrdreg s3  }
0xa9: {  	[dreg:$0x3] =	wrdreg s5  }
0xaa: {  	[dreg:$0x4] =	wrdreg $0xC0  }
0xab: {  	_ =	task [dreg:s7], $0x5FFFF  }
0xac: {  	[dreg:$0x1] =	wrdreg $0xFFFFFFFF  }
0xad: {  	[dreg:$0x0] =	wrdreg $0x60  }
0xae: {  	[dreg:$0x2] =	wrdreg s24  }
0xaf: {  	[dreg:$0x3] =	wrdreg s2  }
0xb0: {  	[dreg:$0x4] =	wrdreg $0x90000  }
0xb1: {  	[dreg:$0x5] =	wrdreg $0xA0000  }
0xb2: {  	[dreg:$0x6] =	wrdreg $0x9  }
0xb3: {  	_ =	task.clear_ibuf [dreg:s7], $0x7FFFF;
	_ =	strace $0x90000049  }
0xb4: {  	s29 =	simm.s32 $0x9;
	_ =	strace $0x8000004B  }
0xb5: {  	_ =	swait.ge [sflag:s29], $0x1  }
0xb6: {  	[sflag:s29] =	ssyncadd.s32 $0xFFFFFFFF  }
0xb7: {  	_ =	strace $0x9000004B  }
0xb8: {  	_ =	sfence  }
0xb9: {  	s30 =	sld [smem:$0x0];
	_ =	sdelay $0x2  }
0xba: {  	s31 =	sshll.u32 s1, $0xD;
	s1 =	sshrl.u32 s1, $0x2  }
0xbb: {  	s3 =	sand.u32 $0x4000, s31;
	s1 =	sadd.s32 s1, s30  }
0xbc: {  	s0 =	sor.u32 s3, s0;
	s1 =	sshll.u32 s1, $0x11  }
0xbd: {  	s0 =	sor.u32 s1, s0  }
0xbe: {  	s0 =	sadd.s32 $0x8F2B, s0  }
0xbf: {  	[sflag:s0] =	ssyncadd.remote.s32 $0x1  }
0xc0: {  	_ =	sfence.sel $0xFFFF  }
0xc1: {  	[dreg:$0x0] =	wrdreg $0xFFFFFFFF;
	(pc) =	sbr.abs _section_cstart, $3  }
0xc2: {  	[dreg:$0x1] =	wrdreg $0xFFFFFFFF  }
0xc3: {  	_ =	task.clear_ibuf [dreg:s7], $0x2FFFF;
	_ =	strace $0x9FFFFFFF  }
0xc4: {  	(tm) =	ssettm $0x7FFFFFFF  }
0xc5: {  	_ =	shalt  }
tec
execute0_lowered:
.L_overlay_start_1:
0x0: {  	(tag) =	ssettag $0x1  }
0x1: {  	s7 =	rddreg [dreg:$0x0]  }
0x2: {  	s0 =	rddreg [dreg:$0x1];
	s2 =	srdreg.scid  }
0x3: {  	s1 =	rddreg [dreg:$0x2];
	s21 =	stileid.u32  }
0x4: {  	s3 =	rddreg [dreg:$0x3];
	s4 =	simm.s32 $0x0;
	s16 =	simm.s32 $0x800  }
0x5: {  	s17 =	simm.s32 $0x5000;
	s18 =	simm.s32 $0x80;
	s19 =	simm.s32 $0x1000  }
0x6: {  	s20 =	simm.s32 $0x1;
	s8 =	sand.u32 $0x1, s2;
	s2 =	rddreg [dreg:$0x4]  }
0x7: {  	s23 =	simm.s32 $0x0;
	s9 =	sshll.u32 s21, $0xC;
	[smem:$0x7FF] =	sst s4  }
0x8: {  	s12 =	sshll.u32 s21, $0x6;
	p0 =	sne.s32 s21, $0x0;
	s5 =	sshll.u32 s8, $0xB  }
0x9: {  	_ =	strace $0x8000004A;
	s11 =	sshll.u32 s8, $0xD;
	s8 =	ssub.s32 $0x2, s8  }
0xa: {  	s14 =	sadd.s32 s9, s1;
	s15 =	sadd.s32 s9, s3;
	s21 =	sshrl.u32 @!p0 s1, $0x3  }
0xb: {  	s22 =	sshrl.u32 @!p0 s3, $0x3;
	s5 =	sor.u32 s5, s9;
	s11 =	sadd.s32 s11, s7  }
0xc: {  	s31 =	sshrl.u32 s8, $0x1;
	s15 =	sshrl.u32 s15, $0x3;
	s6 =	sshrl.u32 s5, $0x3  }
0xd: {  	s5 =	sadd.s32 $0x2C00, s7;
	s13 =	ssub.s32 s8, s31;
	s10 =	sadd.s32 s6, s7  }
0xe: {  	s6 =	sadd.s32 $0xAC00, s7;
	s7 =	sor.u32 $0x1C02, s12;
	s12 =	smax.u32 s13, $0x1  }
0xf: {  	s13 =	sshrl.u32 s14, $0x3;
	s14 =	simm.s32 $0x2;
	s8 =	sadd.s32 $0x37400, s10  }
0x10: {  	s9 =	sadd.s32 $0x39400, s10;
	s10 =	sadd.s32 $0xAE00, s11;
	s11 =	sadd.s32 $0xEE00, s11  }
.LBB2_1:
0x11: {  	[spmem:s13], [sflag:s7] =	dma.local [hbm:s6], $0x200  }
0x12: {  	_ =	swait.ge [sflag:s14], $0x200  }
0x13: {  	[sflag:s14] =	ssyncset.done $0x0  }
0x14: {  	[sflag:s14] =	ssyncadd.s32 $0xFFFFFE00  }
0x15: {  	[spmem:s15], [sflag:s7] =	dma.local [hbm:s6], $0x200  }
0x16: {  	_ =	swait.ge [sflag:s14], $0x200  }
0x17: {  	[sflag:s14] =	ssyncset.done $0x0  }
0x18: {  	[sflag:s14] =	ssyncadd.s32 $0xFFFFFE00  }
0x19: {  	[tilespmem:s4], [sflag:$0x2] =	stream.linear.gather [hbm4b:s8+s4], $0x800, $0x38;
	[tilespmem:$0xB000] =	vst v63  }
0x1a: {  	_ =	swait.ge [sflag:s14], $0x800  }
0x1b: {  	[sflag:s14] =	ssyncset.done $0x0  }
0x1c: {  	[sflag:s14] =	ssyncadd.s32 $0xFFFFF800  }
0x1d: {  	[tilespmem:s16], [sflag:$0x2] =	stream.linear.gather [hbm4b:s9+s4], $0x800, $0x38;
	[tilespmem:$0xB000] =	vst v63  }
0x1e: {  	_ =	swait.ge [sflag:s14], $0x800  }
0x1f: {  	[sflag:s14] =	ssyncset.done $0x0  }
0x20: {  	[sflag:s14] =	ssyncadd.s32 $0xFFFFF800  }
0x21: {  	[tilespmem:s17], [sflag:$0x2] =	stream.linear.gather [hbm4b:s0+s4], $0x4000, $0x38;
	[tilespmem:$0xB000] =	vst v63  }
0x22: {  	_ =	swait.ge [sflag:s14], $0x4000  }
0x23: {  	[sflag:s14] =	ssyncset.done $0x0  }
0x24: {  	[sflag:s14] =	ssyncadd.s32 $0xFFFFC000  }
0x25: {  	s24 =	simm.s32 $0x0;
	[bflag:$0x0] =	sbarrier.arrive $0xFFFF  }
0x26: {  	[tilespmem:s19], [sflag:$0x1] =	stream.indirect.gather [hbm4b:s5+s18], $0x80, s24, s18, $0xb8;
	[tilespmem:$0xB000] =	vst v63  }
0x27: {  	_ =	swait.ge [sflag:s20], $0x4000  }
0x28: {  	[sflag:s20] =	ssyncset.done $0x0  }
0x29: {  	s31 =	simm.s32 $0x800;
	[sflag:s20] =	ssyncadd.s32 $0xFFFFC000  }
0x2a: {  	[spmem:s1] =	stream.indirect.scatter.add.f32 [tilespmem:s19], [sflag:$0x2], $0x80, s31, s18, $0xb8;
	[tilespmem:$0xB000] =	vst v63  }
0x2b: {  	_ =	swait.ge [sflag:s14], $0x4000  }
0x2c: {  	[sflag:s14] =	ssyncset.done $0x0  }
0x2d: {  	[sflag:s14] =	ssyncadd.s32 $0xFFFFC000  }
0x2e: {  	[spmem:s3] =	stream.indirect.scatter.add.f32 [tilespmem:s17], [sflag:$0x2], $0x80, s31, s18, $0xb8;
	[tilespmem:$0xB000] =	vst v63  }
0x2f: {  	_ =	swait.ge [sflag:s14], $0x4000  }
0x30: {  	s25 =	simm.s32 $0x400;
	s24 =	simm.s32 $0x200;
	[sflag:s14] =	ssyncset.done $0x0  }
.LBB2_2:
0x31: {  	s26 =	sshra.s32 s24, $0x2  }
0x32: {  	[sflag:s14] =	ssyncadd.s32 $0xFFFFC000;
	s24 =	smov.u32 s25;
	s28 =	sadd.s32 $0x200, s25  }
0x33: {  	[tilespmem:s19], [sflag:$0x1] =	stream.indirect.gather [hbm4b:s5+s18], $0x80, s26, s18, $0xb8;
	[tilespmem:$0xB000] =	vst v63  }
0x34: {  	p1 =	sne.s32 s25, $0x1E00;
	_ =	swait.ge [sflag:s20], $0x4000  }
0x35: {  	[sflag:s20] =	ssyncset.done $0x0  }
0x36: {  	s25 =	sadd.s32 $0x800, s26;
	[sflag:s20] =	ssyncadd.s32 $0xFFFFC000  }
0x37: {  	[spmem:s1] =	stream.indirect.scatter.add.f32 [tilespmem:s19], [sflag:$0x2], $0x80, s25, s18, $0xb8;
	[tilespmem:$0xB000] =	vst v63  }
0x38: {  	_ =	swait.ge [sflag:s14], $0x4000  }
.Ltmp0:
0x39: {  	[sflag:s14] =	ssyncset.done $0x0;
	(pc) =	sbr.rel @p1 .LBB2_2-.Ltmp0, $4  }
0x3a: {  	[sflag:s14] =	ssyncadd.s32 $0xFFFFC000  }
0x3b: {  	[spmem:s3] =	stream.indirect.scatter.add.f32 [tilespmem:s17], [sflag:$0x2], $0x80, s25, s18, $0xb8;
	[tilespmem:$0xB000] =	vst v63  }
0x3c: {  	_ =	swait.ge [sflag:s14], $0x4000  }
0x3d: {  	s25 =	smov.u32 s28;
	[sflag:s14] =	ssyncset.done $0x0  }
0x3e: {  	s24 =	sshra.s32 s24, $0x2;
	[sflag:s14] =	ssyncadd.s32 $0xFFFFC000  }
0x3f: {  	[tilespmem:s19], [sflag:$0x1] =	stream.indirect.gather [hbm4b:s5+s18], $0x80, s24, s18, $0xb8;
	[tilespmem:$0xB000] =	vst v63  }
0x40: {  	_ =	swait.ge [sflag:s20], $0x4000  }
0x41: {  	[sflag:s20] =	ssyncset.done $0x0  }
0x42: {  	s24 =	sadd.s32 $0x800, s24;
	[sflag:s20] =	ssyncadd.s32 $0xFFFFC000  }
0x43: {  	[spmem:s1] =	stream.indirect.scatter.add.f32 [tilespmem:s19], [sflag:$0x2], $0x80, s24, s18, $0xb8;
	[tilespmem:$0xB000] =	vst v63  }
0x44: {  	_ =	swait.ge [sflag:s14], $0x4000  }
0x45: {  	[sflag:s14] =	ssyncset.done $0x0  }
0x46: {  	[sflag:s14] =	ssyncadd.s32 $0xFFFFC000  }
0x47: {  	[spmem:s3] =	stream.indirect.scatter.add.f32 [tilespmem:s17], [sflag:$0x2], $0x80, s24, s18, $0xb8;
	[tilespmem:$0xB000] =	vst v63  }
0x48: {  	_ =	swait.ge [sflag:s14], $0x4000  }
0x49: {  	[sflag:s14] =	ssyncset.done $0x0  }
0x4a: {  	[sflag:s14] =	ssyncadd.s32 $0xFFFFC000  }
0x4b: {  	s24 =	simm.s32 @!p0 $0x2;
	[bflag:$0x0] =	sbarrier.arrive $0xFFFF  }
0x4c: {  	[hbm:s10], [sflag:s7] =	dma.local @!p0 [spmem:s21], $0x2000  }
0x4d: {  	s23 =	sadd.s32 $0x1, s23;
	_ =	swait.ge @!p0 [sflag:s24], $0x2000  }
0x4e: {  	p1 =	sne.s32 s23, s12;
	[sflag:s24] =	ssyncset.done @!p0 $0x0  }
.Ltmp1:
0x4f: {  	[sflag:s24] =	ssyncadd.s32 @!p0 $0xFFFFE000;
	(pc) =	sbr.rel @p1 .LBB2_1-.Ltmp1, $4  }
0x50: {  	[hbm:s11], [sflag:s7] =	dma.local @!p0 [spmem:s22], $0x2000  }
0x51: {  	_ =	swait.ge @!p0 [sflag:s24], $0x2000  }
0x52: {  	[sflag:s24] =	ssyncset.done @!p0 $0x0  }
0x53: {  	[sflag:s24] =	ssyncadd.s32 @!p0 $0xFFFFE000  }
0x54: {  	_ =	sfence.sel $0x180000  }
0x55: {  	[bflag:$0x0] =	sbarrier.arrive $0xFFFF  }
0x56: {  	_ =	strace $0x9000004A  }
0x57: {  	s0 =	sadd.s32 @!p0 $0x100000, s2;
	[bflag:$0x2] =	sbarrier.arrive $0xFFFF  }
0x58: {  	[sflag:s0] =	ssyncadd.tile.s32 @!p0 $0x1;
	_ =	shalt  }
.Lfunc_end2:
_tile_overlayer_lowered:
.L_overlay_start_2:
0x59: {  	(tag) =	ssettag $0x2  }
0x5a: {  	s0 =	rddreg [dreg:$0x0];
	s2 =	stileid.u32  }
0x5b: {  	s1 =	rddreg [dreg:$0x1];
	p0 =	sne.s32 s2, $0x0  }
0x5c: {  	s3 =	rddreg [dreg:$0x2];
	[bflag:$0x3] =	sbarrier.arrive $0xFFFF;
	s2 =	simm.s32 @!p0 $0x1C02  }
0x5d: {  	[timem:s3], [sflag:s2] =	dma.local @!p0 [hbm:s0], s1  }
0x5e: {  	s0 =	simm.s32 @!p0 $0x2  }
0x5f: {  	_ =	swait.ge @!p0 [sflag:s0], s1  }
0x60: {  	s1 =	ssub.s32 @!p0 $0x0, s1;
	[sflag:s0] =	ssyncset.done @!p0 $0x0  }
0x61: {  	[sflag:s0] =	ssyncadd.s32 @!p0 s1  }
0x62: {  	[bflag:$0x3] =	sbarrier.arrive $0xFFFF  }
0x63: {  	_ =	shalt  }

</sc_bundles>
